<compile_context>
chip_gen: v7x
topology: tpu7x:2x2x1
jax: 0.10.2.dev20260603
libtpu: 0.0.44.dev20260713+nightly
codegen_flags: <defaults>
</compile_context>

<pallas_src>
import jax
import jax.numpy as jnp
import numpy as np
from jax import lax
from jax.experimental import pallas as pl
from jax.experimental.pallas import tpu as pltpu
from jax.experimental.pallas import tpu_sc as plsc

VOCAB = 1000000
USER = 100000
D = 64
MAX_LEN = 200
B = 1024
L = 200

NC = 2
NS = 16
NW = NC * NS
SEQ_PER_W = B // NW
IDX_PER_W = SEQ_PER_W * L

CHUNKS = ((0, 128), (128, 72))


def _pe_table(max_len, d_model):
    pos = np.arange(max_len, dtype=np.float64)[:, None]
    div = np.exp(
        np.arange(0, d_model, 2, dtype=np.float64) * -(np.log(10000.0) / d_model)
    )
    pe = np.zeros((max_len, d_model), dtype=np.float32)
    pe[:, 0::2] = np.sin(pos * div).astype(np.float32)
    pe[:, 1::2] = np.cos(pos * div).astype(np.float32)
    return pe


_PE_FLAT = _pe_table(MAX_LEN, D).reshape(-1)


def _body(trow_hbm, urow_hbm, tok_hbm, usr_hbm, pe_hbm, out_hbm,
          idx_all, rows0, rows1, obuf0, obuf1, pe_v, urows_v, urow_v,
          gsem0, gsem1, osem0, osem1):
    wid = lax.axis_index("s") * NC + lax.axis_index("c")
    base = wid * SEQ_PER_W
    ibase = wid * IDX_PER_W

    pltpu.sync_copy(pe_hbm, pe_v)
    pltpu.sync_copy(trow_hbm.at[pl.ds(ibase, IDX_PER_W)], idx_all)
    pltpu.sync_copy(urow_hbm.at[pl.ds(base, SEQ_PER_W)], urow_v)
    pltpu.async_copy(usr_hbm.at[urow_v], urows_v, gsem0).wait()

    rows = (rows0, rows1)
    obuf = (obuf0, obuf1)
    gsem = (gsem0, gsem1)
    osem = (osem0, osem1)

    def start_gather(j, p):
        for off, n in CHUNKS:
            pltpu.async_copy(
                tok_hbm.at[idx_all.at[pl.ds(j * L + off, n)]],
                rows[p].at[pl.ds(off, n)],
                gsem[p],
            )

    def wait_gather(j, p):
        for off, n in CHUNKS:
            pltpu.make_async_copy(
                tok_hbm.at[idx_all.at[pl.ds(j * L + off, n)]],
                rows[p].at[pl.ds(off, n)],
                gsem[p],
            ).wait()

    start_gather(0, 0)

    @pl.loop(0, SEQ_PER_W, step=2)
    def _(jj):
        for p in range(2):
            j = jj + p
            b = base + j
            q = 1 - p

            @pl.when(j + 1 < SEQ_PER_W)
            def _():
                start_gather(j + 1, q)

            wait_gather(j, p)

            @pl.when(j >= 2)
            def _():
                pltpu.make_async_copy(
                    obuf[p], out_hbm.at[pl.ds((b - 2) * L * D, L * D)], osem[p]
                ).wait()

            u = [urows_v[j, pl.ds(c * 16, 16)] for c in range(D // 16)]
            rp = rows[p]
            op = obuf[p]

            @plsc.parallel_loop(0, L, unroll=4)
            def _(r):
                for c in range(D // 16):
                    op[pl.ds(r * D + c * 16, 16)] = (
                        rp[r, pl.ds(c * 16, 16)]
                        + pe_v[pl.ds(r * D + c * 16, 16)]
                        + u[c]
                    )

            pltpu.async_copy(op, out_hbm.at[pl.ds(b * L * D, L * D)], osem[p])

    last = base + SEQ_PER_W
    pltpu.make_async_copy(
        obuf[0], out_hbm.at[pl.ds((last - 2) * L * D, L * D)], osem[0]
    ).wait()
    pltpu.make_async_copy(
        obuf[1], out_hbm.at[pl.ds((last - 1) * L * D, L * D)], osem[1]
    ).wait()


@jax.jit
def _run(trow, urow, tok_pad, usr_pad, pe_flat):
    mesh = plsc.VectorSubcoreMesh(core_axis_name="c", subcore_axis_name="s")
    f = pl.kernel(
        _body,
        out_type=jax.ShapeDtypeStruct((B * L * D,), jnp.float32),
        mesh=mesh,
        scratch_types=[
            pltpu.VMEM((IDX_PER_W,), jnp.int32),
            pltpu.VMEM((L, 128), jnp.float32),
            pltpu.VMEM((L, 128), jnp.float32),
            pltpu.VMEM((L * D,), jnp.float32),
            pltpu.VMEM((L * D,), jnp.float32),
            pltpu.VMEM((L * D,), jnp.float32),
            pltpu.VMEM((SEQ_PER_W, 128), jnp.float32),
            pltpu.VMEM((SEQ_PER_W,), jnp.int32),
            pltpu.SemaphoreType.DMA,
            pltpu.SemaphoreType.DMA,
            pltpu.SemaphoreType.DMA,
            pltpu.SemaphoreType.DMA,
        ],
    )
    return f(trow, urow, tok_pad, usr_pad, pe_flat)


def kernel(sequence, user_idx, token_table, user_table):
    trow = sequence.astype(jnp.int32).reshape(-1)
    urow = user_idx.astype(jnp.int32)
    tok_pad = jnp.pad(token_table, ((0, 0), (0, 128 - D)))
    usr_pad = jnp.pad(user_table, ((0, 0), (0, 128 - D)))
    out_flat = _run(trow, urow, tok_pad, usr_pad, _PE_FLAT)
    return out_flat.reshape(B, L, D)

# --- scband reference (transcript-rebuilt; emitter-appended) ---
"""Pipeline reference for scband-bertembedding-52415780881004 (READ-ONLY COPY).

The authoritative reference and input builder live on the scoring server;
editing this copy changes nothing except your own understanding.
"""

import jax, jax.numpy as jnp
import numpy as np

VOCAB = 1000000
USER = 100000
D = 64
MAX_LEN = 200
B = 1024
L = 200


def _sinusoidal_pe(max_len, d_model):
    # Standard BERT-pytorch PositionalEmbedding: fixed sin/cos table
    pos = np.arange(max_len, dtype=np.float64)[:, None]
    div = np.exp(np.arange(0, d_model, 2, dtype=np.float64) * -(np.log(10000.0) / d_model))
    pe = np.zeros((max_len, d_model), dtype=np.float32)
    pe[:, 0::2] = np.sin(pos * div).astype(np.float32)
    pe[:, 1::2] = np.cos(pos * div).astype(np.float32)
    return jnp.asarray(pe)


PE = _sinusoidal_pe(MAX_LEN, D)


def setup_inputs(seed: int = 0) -> dict:
    key = jax.random.key(seed)
    k1, k2, k3, k4 = jax.random.split(key, 4)
    sequence = jax.random.randint(k1, (B, L), 0, VOCAB, dtype=jnp.int64)
    user_idx = jax.random.randint(k2, (B,), 0, USER, dtype=jnp.int64)
    token_table = jax.random.normal(k3, (VOCAB, D), dtype=jnp.float32) * 0.02
    user_table = jax.random.normal(k4, (USER, D), dtype=jnp.float32) * 0.02
    return {"sequence": sequence, "user_idx": user_idx, "token_table": token_table, "user_table": user_table}


def reference(sequence, user_idx, token_table, user_table):
    # TokenEmbedding: plain embedding lookup
    x = jnp.take(token_table, sequence, axis=0)  # [B, L, D]
    # PositionalEmbedding: fixed sin/cos, sliced to seq_len, broadcast over batch
    pe = PE[: sequence.shape[1]][None, :, :]  # [1, L, D]
    x = x + pe
    # UserEmbedding: per-sequence user vector broadcast over positions
    ue = jnp.take(user_table, user_idx, axis=0)[:, None, :]  # [B, 1, D]
    x = x + ue
    # dropout in eval mode = identity
    return x

if __name__ == "__main__":
    import jax
    _d = setup_inputs()
    print(jax.jit(kernel)(*tuple(_d.values())))

</pallas_src>

<mosaic_0001>
#map = affine_map<(d0, d1) -> (0)>
#map1 = affine_map<(d0, d1) -> (0, 0)>
module attributes {stable_mosaic.version = 14 : i64} {
  func.func @_body(%arg0: i32, %arg1: i32, %arg2: memref<204800xi32, #tpu.memory_space<hbm>>, %arg3: memref<1024xi32, #tpu.memory_space<hbm>>, %arg4: memref<1000000x128xf32, #tpu.memory_space<hbm>>, %arg5: memref<100000x128xf32, #tpu.memory_space<hbm>>, %arg6: memref<12800xf32, #tpu.memory_space<hbm>>, %arg7: memref<13107200xf32, #tpu.memory_space<hbm>>, %arg8: memref<6400xi32, #tpu.memory_space<vmem>>, %arg9: memref<200x128xf32, #tpu.memory_space<vmem>>, %arg10: memref<200x128xf32, #tpu.memory_space<vmem>>, %arg11: memref<12800xf32, #tpu.memory_space<vmem>>, %arg12: memref<12800xf32, #tpu.memory_space<vmem>>, %arg13: memref<12800xf32, #tpu.memory_space<vmem>>, %arg14: memref<32x128xf32, #tpu.memory_space<vmem>>, %arg15: memref<32xi32, #tpu.memory_space<vmem>>, %arg16: memref<!tpu.dma_semaphore, #tpu.memory_space<semaphore_mem>>, %arg17: memref<!tpu.dma_semaphore, #tpu.memory_space<semaphore_mem>>, %arg18: memref<!tpu.dma_semaphore, #tpu.memory_space<semaphore_mem>>, %arg19: memref<!tpu.dma_semaphore, #tpu.memory_space<semaphore_mem>>) attributes {dimension_semantics = [#tpu.dimension_semantics<core_parallel>, #tpu.dimension_semantics<subcore_parallel>], iteration_bounds = array<i64: 2, 16>, scalar_prefetch = 0 : i64, scratch_operands = 12 : i64, tpu.core_type = #tpu.core_type<sc_vector_subcore>, window_params = [{transform_indices = #map}, {transform_indices = #map}, {transform_indices = #map1}, {transform_indices = #map1}, {transform_indices = #map}, {transform_indices = #map}]} {
    %mul3A = arith.constant 2 : i32
    %mul3A_0 = arith.muli %arg1, %mul3A : i32
    %add3A = arith.addi %mul3A_0, %arg0 : i32
    %mul3A_1 = arith.constant 32 : i32
    %mul3A_2 = arith.muli %add3A, %mul3A_1 : i32
    %mul3A_3 = arith.constant 6400 : i32
    %mul3A_4 = arith.muli %add3A, %mul3A_3 : i32
    "tpu.region"() ({
      %run_scoped3A = tpu.sem_alloc : memref<!tpu.dma_semaphore, #tpu.memory_space<semaphore_mem>>
      tpu.enqueue_dma source(%arg6 : memref<12800xf32, #tpu.memory_space<hbm>>) target(%arg13 : memref<12800xf32, #tpu.memory_space<vmem>>) target_semaphore(%run_scoped3A : memref<!tpu.dma_semaphore, #tpu.memory_space<semaphore_mem>>)
      tpu.wait_dma2 semaphore(%run_scoped3A : memref<!tpu.dma_semaphore, #tpu.memory_space<semaphore_mem>>) src(%arg6 : memref<12800xf32, #tpu.memory_space<hbm>>) dst(%arg13 : memref<12800xf32, #tpu.memory_space<vmem>>)
      tpu.yield
    }) : () -> ()
    "tpu.region"() ({
      %run_scoped3A = tpu.sem_alloc : memref<!tpu.dma_semaphore, #tpu.memory_space<semaphore_mem>>
      %dma_start3A_46 = tpu.memref_slice %arg2[%mul3A_4] : memref<204800xi32, #tpu.memory_space<hbm>> -> memref<6400xi32, #tpu.memory_space<hbm>>
      %dma_start3A_47 = tpu.memref_slice %arg2[%mul3A_4] : memref<204800xi32, #tpu.memory_space<hbm>> -> memref<6400xi32, #tpu.memory_space<hbm>>
      tpu.enqueue_dma source(%dma_start3A_47 : memref<6400xi32, #tpu.memory_space<hbm>>) target(%arg8 : memref<6400xi32, #tpu.memory_space<vmem>>) target_semaphore(%run_scoped3A : memref<!tpu.dma_semaphore, #tpu.memory_space<semaphore_mem>>)
      %dma_wait3A_48 = tpu.memref_slice %arg2[%mul3A_4] : memref<204800xi32, #tpu.memory_space<hbm>> -> memref<6400xi32, #tpu.memory_space<hbm>>
      %dma_wait3A_49 = tpu.memref_slice %arg2[%mul3A_4] : memref<204800xi32, #tpu.memory_space<hbm>> -> memref<6400xi32, #tpu.memory_space<hbm>>
      tpu.wait_dma2 semaphore(%run_scoped3A : memref<!tpu.dma_semaphore, #tpu.memory_space<semaphore_mem>>) src(%dma_wait3A_49 : memref<6400xi32, #tpu.memory_space<hbm>>) dst(%arg8 : memref<6400xi32, #tpu.memory_space<vmem>>)
      tpu.yield
    }) : () -> ()
    "tpu.region"() ({
      %run_scoped3A = tpu.sem_alloc : memref<!tpu.dma_semaphore, #tpu.memory_space<semaphore_mem>>
      %dma_start3A_46 = tpu.memref_slice %arg3[%mul3A_2] : memref<1024xi32, #tpu.memory_space<hbm>> -> memref<32xi32, #tpu.memory_space<hbm>>
      %dma_start3A_47 = tpu.memref_slice %arg3[%mul3A_2] : memref<1024xi32, #tpu.memory_space<hbm>> -> memref<32xi32, #tpu.memory_space<hbm>>
      tpu.enqueue_dma source(%dma_start3A_47 : memref<32xi32, #tpu.memory_space<hbm>>) target(%arg15 : memref<32xi32, #tpu.memory_space<vmem>>) target_semaphore(%run_scoped3A : memref<!tpu.dma_semaphore, #tpu.memory_space<semaphore_mem>>)
      %dma_wait3A_48 = tpu.memref_slice %arg3[%mul3A_2] : memref<1024xi32, #tpu.memory_space<hbm>> -> memref<32xi32, #tpu.memory_space<hbm>>
      %dma_wait3A_49 = tpu.memref_slice %arg3[%mul3A_2] : memref<1024xi32, #tpu.memory_space<hbm>> -> memref<32xi32, #tpu.memory_space<hbm>>
      tpu.wait_dma2 semaphore(%run_scoped3A : memref<!tpu.dma_semaphore, #tpu.memory_space<semaphore_mem>>) src(%dma_wait3A_49 : memref<32xi32, #tpu.memory_space<hbm>>) dst(%arg15 : memref<32xi32, #tpu.memory_space<vmem>>)
      tpu.yield
    }) : () -> ()
    %dma_start3A = arith.constant 0 : i32
    %dma_start3A_5 = arith.constant 0 : i32
    %dma_start3A_6 = tpu.memref_slice %arg5[%dma_start3A, %dma_start3A_5] : memref<100000x128xf32, #tpu.memory_space<hbm>> -> memref<100000x128xf32, #tpu.memory_space<hbm>>
    tpu.enqueue_indirect_dma source(%dma_start3A_6 : memref<100000x128xf32, #tpu.memory_space<hbm>>) target(%arg14 : memref<32x128xf32, #tpu.memory_space<vmem>>) offsets(%arg15 : memref<32xi32, #tpu.memory_space<vmem>>) semaphore(%arg16 : memref<!tpu.dma_semaphore, #tpu.memory_space<semaphore_mem>>)
    %dma_wait3A = arith.constant 0 : i32
    %dma_wait3A_7 = arith.constant 0 : i32
    %dma_wait3A_8 = tpu.memref_slice %arg5[%dma_wait3A, %dma_wait3A_7] : memref<100000x128xf32, #tpu.memory_space<hbm>> -> memref<100000x128xf32, #tpu.memory_space<hbm>>
    tpu.wait_indirect_dma semaphore(%arg16 : memref<!tpu.dma_semaphore, #tpu.memory_space<semaphore_mem>>) src(%dma_wait3A_8 : memref<100000x128xf32, #tpu.memory_space<hbm>>) dst(%arg14 : memref<32x128xf32, #tpu.memory_space<vmem>>)
    %dma_start3A_9 = arith.constant 0 : i32
    %dma_start3A_10 = arith.constant 0 : i32
    %dma_start3A_11 = tpu.memref_slice %arg9[%dma_start3A_9, %dma_start3A_10] : memref<200x128xf32, #tpu.memory_space<vmem>> -> memref<128x128xf32, #tpu.memory_space<vmem>>
    %dma_start3A_12 = arith.constant 0 : i32
    %dma_start3A_13 = tpu.memref_slice %arg8[%dma_start3A_12] : memref<6400xi32, #tpu.memory_space<vmem>> -> memref<128xi32, #tpu.memory_space<vmem>>
    %dma_start3A_14 = arith.constant 0 : i32
    %dma_start3A_15 = arith.constant 0 : i32
    %dma_start3A_16 = tpu.memref_slice %arg4[%dma_start3A_14, %dma_start3A_15] : memref<1000000x128xf32, #tpu.memory_space<hbm>> -> memref<1000000x128xf32, #tpu.memory_space<hbm>>
    tpu.enqueue_indirect_dma source(%dma_start3A_16 : memref<1000000x128xf32, #tpu.memory_space<hbm>>) target(%dma_start3A_11 : memref<128x128xf32, #tpu.memory_space<vmem>>) offsets(%dma_start3A_13 : memref<128xi32, #tpu.memory_space<vmem>>) semaphore(%arg16 : memref<!tpu.dma_semaphore, #tpu.memory_space<semaphore_mem>>)
    %dma_start3A_17 = arith.constant 128 : i32
    %dma_start3A_18 = arith.constant 0 : i32
    %dma_start3A_19 = tpu.memref_slice %arg9[%dma_start3A_17, %dma_start3A_18] : memref<200x128xf32, #tpu.memory_space<vmem>> -> memref<72x128xf32, #tpu.memory_space<vmem>>
    %dma_start3A_20 = arith.constant 128 : i32
    %dma_start3A_21 = tpu.memref_slice %arg8[%dma_start3A_20] : memref<6400xi32, #tpu.memory_space<vmem>> -> memref<72xi32, #tpu.memory_space<vmem>>
    %dma_start3A_22 = arith.constant 0 : i32
    %dma_start3A_23 = arith.constant 0 : i32
    %dma_start3A_24 = tpu.memref_slice %arg4[%dma_start3A_22, %dma_start3A_23] : memref<1000000x128xf32, #tpu.memory_space<hbm>> -> memref<1000000x128xf32, #tpu.memory_space<hbm>>
    tpu.enqueue_indirect_dma source(%dma_start3A_24 : memref<1000000x128xf32, #tpu.memory_space<hbm>>) target(%dma_start3A_19 : memref<72x128xf32, #tpu.memory_space<vmem>>) offsets(%dma_start3A_21 : memref<72xi32, #tpu.memory_space<vmem>>) semaphore(%arg16 : memref<!tpu.dma_semaphore, #tpu.memory_space<semaphore_mem>>)
    %scan3A = arith.constant 0 : i32
    %scan3A_25 = arith.constant 16 : i32
    %scan3A_26 = arith.addi %scan3A, %scan3A_25 : i32
    %scan3A_27 = arith.constant 1 : i32
    scf.for %scan3A_46 = %scan3A to %scan3A_26 step %scan3A_27  : i32 {
      %mul3A_47 = arith.constant 2 : i32
      %mul3A_48 = arith.muli %scan3A_46, %mul3A_47 : i32
      %add3A_49 = arith.constant 0 : i32
      %add3A_50 = arith.addi %add3A_49, %mul3A_48 : i32
      %add3A_51 = arith.constant 0 : i32
      %add3A_52 = arith.addi %add3A_50, %add3A_51 : i32
      %add3A_53 = arith.addi %mul3A_2, %add3A_52 : i32
      %add3A_54 = arith.constant 1 : i32
      %add3A_55 = arith.addi %add3A_52, %add3A_54 : i32
      %lt3A = arith.constant 32 : i32
      %lt3A_56 = arith.cmpi slt, %add3A_55, %lt3A : i32
      %convert_element_type3A = arith.extui %lt3A_56 : i1 to i32
      %cond3A = arith.constant 0 : i32
      %cond3A_57 = arith.cmpi ne, %convert_element_type3A, %cond3A : i32
      scf.if %cond3A_57 {
        %add3A_169 = arith.constant 1 : i32
        %add3A_170 = arith.addi %add3A_52, %add3A_169 : i32
        %mul3A_171 = arith.constant 200 : i32
        %mul3A_172 = arith.muli %add3A_170, %mul3A_171 : i32
        %add3A_173 = arith.constant 0 : i32
        %add3A_174 = arith.addi %mul3A_172, %add3A_173 : i32
        %dma_start3A_175 = arith.constant 0 : i32
        %dma_start3A_176 = arith.constant 0 : i32
        %dma_start3A_177 = tpu.memref_slice %arg10[%dma_start3A_175, %dma_start3A_176] : memref<200x128xf32, #tpu.memory_space<vmem>> -> memref<128x128xf32, #tpu.memory_space<vmem>>
        %dma_start3A_178 = tpu.memref_slice %arg8[%add3A_174] : memref<6400xi32, #tpu.memory_space<vmem>> -> memref<128xi32, #tpu.memory_space<vmem>>
        %dma_start3A_179 = arith.constant 0 : i32
        %dma_start3A_180 = arith.constant 0 : i32
        %dma_start3A_181 = tpu.memref_slice %arg4[%dma_start3A_179, %dma_start3A_180] : memref<1000000x128xf32, #tpu.memory_space<hbm>> -> memref<1000000x128xf32, #tpu.memory_space<hbm>>
        tpu.enqueue_indirect_dma source(%dma_start3A_181 : memref<1000000x128xf32, #tpu.memory_space<hbm>>) target(%dma_start3A_177 : memref<128x128xf32, #tpu.memory_space<vmem>>) offsets(%dma_start3A_178 : memref<128xi32, #tpu.memory_space<vmem>>) semaphore(%arg17 : memref<!tpu.dma_semaphore, #tpu.memory_space<semaphore_mem>>)
        %mul3A_182 = arith.constant 200 : i32
        %mul3A_183 = arith.muli %add3A_170, %mul3A_182 : i32
        %add3A_184 = arith.constant 128 : i32
        %add3A_185 = arith.addi %mul3A_183, %add3A_184 : i32
        %dma_start3A_186 = arith.constant 128 : i32
        %dma_start3A_187 = arith.constant 0 : i32
        %dma_start3A_188 = tpu.memref_slice %arg10[%dma_start3A_186, %dma_start3A_187] : memref<200x128xf32, #tpu.memory_space<vmem>> -> memref<72x128xf32, #tpu.memory_space<vmem>>
        %dma_start3A_189 = tpu.memref_slice %arg8[%add3A_185] : memref<6400xi32, #tpu.memory_space<vmem>> -> memref<72xi32, #tpu.memory_space<vmem>>
        %dma_start3A_190 = arith.constant 0 : i32
        %dma_start3A_191 = arith.constant 0 : i32
        %dma_start3A_192 = tpu.memref_slice %arg4[%dma_start3A_190, %dma_start3A_191] : memref<1000000x128xf32, #tpu.memory_space<hbm>> -> memref<1000000x128xf32, #tpu.memory_space<hbm>>
        tpu.enqueue_indirect_dma source(%dma_start3A_192 : memref<1000000x128xf32, #tpu.memory_space<hbm>>) target(%dma_start3A_188 : memref<72x128xf32, #tpu.memory_space<vmem>>) offsets(%dma_start3A_189 : memref<72xi32, #tpu.memory_space<vmem>>) semaphore(%arg17 : memref<!tpu.dma_semaphore, #tpu.memory_space<semaphore_mem>>)
      } else {
      }
      %mul3A_58 = arith.constant 200 : i32
      %mul3A_59 = arith.muli %add3A_52, %mul3A_58 : i32
      %add3A_60 = arith.constant 0 : i32
      %add3A_61 = arith.addi %mul3A_59, %add3A_60 : i32
      %dma_wait3A_62 = arith.constant 0 : i32
      %dma_wait3A_63 = arith.constant 0 : i32
      %dma_wait3A_64 = tpu.memref_slice %arg9[%dma_wait3A_62, %dma_wait3A_63] : memref<200x128xf32, #tpu.memory_space<vmem>> -> memref<128x128xf32, #tpu.memory_space<vmem>>
      %dma_wait3A_65 = tpu.memref_slice %arg8[%add3A_61] : memref<6400xi32, #tpu.memory_space<vmem>> -> memref<128xi32, #tpu.memory_space<vmem>>
      %dma_wait3A_66 = arith.constant 0 : i32
      %dma_wait3A_67 = arith.constant 0 : i32
      %dma_wait3A_68 = tpu.memref_slice %arg4[%dma_wait3A_66, %dma_wait3A_67] : memref<1000000x128xf32, #tpu.memory_space<hbm>> -> memref<1000000x128xf32, #tpu.memory_space<hbm>>
      tpu.wait_indirect_dma semaphore(%arg16 : memref<!tpu.dma_semaphore, #tpu.memory_space<semaphore_mem>>) src(%dma_wait3A_68 : memref<1000000x128xf32, #tpu.memory_space<hbm>>) dst(%dma_wait3A_64 : memref<128x128xf32, #tpu.memory_space<vmem>>)
      %mul3A_69 = arith.constant 200 : i32
      %mul3A_70 = arith.muli %add3A_52, %mul3A_69 : i32
      %add3A_71 = arith.constant 128 : i32
      %add3A_72 = arith.addi %mul3A_70, %add3A_71 : i32
      %dma_wait3A_73 = arith.constant 128 : i32
      %dma_wait3A_74 = arith.constant 0 : i32
      %dma_wait3A_75 = tpu.memref_slice %arg9[%dma_wait3A_73, %dma_wait3A_74] : memref<200x128xf32, #tpu.memory_space<vmem>> -> memref<72x128xf32, #tpu.memory_space<vmem>>
      %dma_wait3A_76 = tpu.memref_slice %arg8[%add3A_72] : memref<6400xi32, #tpu.memory_space<vmem>> -> memref<72xi32, #tpu.memory_space<vmem>>
      %dma_wait3A_77 = arith.constant 0 : i32
      %dma_wait3A_78 = arith.constant 0 : i32
      %dma_wait3A_79 = tpu.memref_slice %arg4[%dma_wait3A_77, %dma_wait3A_78] : memref<1000000x128xf32, #tpu.memory_space<hbm>> -> memref<1000000x128xf32, #tpu.memory_space<hbm>>
      tpu.wait_indirect_dma semaphore(%arg16 : memref<!tpu.dma_semaphore, #tpu.memory_space<semaphore_mem>>) src(%dma_wait3A_79 : memref<1000000x128xf32, #tpu.memory_space<hbm>>) dst(%dma_wait3A_75 : memref<72x128xf32, #tpu.memory_space<vmem>>)
      %ge3A = arith.constant 2 : i32
      %ge3A_80 = arith.cmpi sge, %add3A_52, %ge3A : i32
      %convert_element_type3A_81 = arith.extui %ge3A_80 : i1 to i32
      %cond3A_82 = arith.constant 0 : i32
      %cond3A_83 = arith.cmpi ne, %convert_element_type3A_81, %cond3A_82 : i32
      scf.if %cond3A_83 {
        %sub3A_169 = arith.constant 2 : i32
        %sub3A_170 = arith.subi %add3A_53, %sub3A_169 : i32
        %mul3A_171 = arith.constant 200 : i32
        %mul3A_172 = arith.muli %sub3A_170, %mul3A_171 : i32
        %mul3A_173 = arith.constant 64 : i32
        %mul3A_174 = arith.muli %mul3A_172, %mul3A_173 : i32
        %dma_wait3A_175 = tpu.memref_slice %arg7[%mul3A_174] : memref<13107200xf32, #tpu.memory_space<hbm>> -> memref<12800xf32, #tpu.memory_space<hbm>>
        %dma_wait3A_176 = tpu.memref_slice %arg7[%mul3A_174] : memref<13107200xf32, #tpu.memory_space<hbm>> -> memref<12800xf32, #tpu.memory_space<hbm>>
        tpu.wait_dma2 semaphore(%arg18 : memref<!tpu.dma_semaphore, #tpu.memory_space<semaphore_mem>>) src(%arg11 : memref<12800xf32, #tpu.memory_space<vmem>>) dst(%dma_wait3A_176 : memref<12800xf32, #tpu.memory_space<hbm>>)
      } else {
      }
      %get3A = arith.index_cast %add3A_52 : i32 to index
      %get3A_84 = arith.constant 0 : index
      %get3A_85 = tpu.vector_load %arg14[%get3A, %get3A_84] {strides = array<i32>} : memref<32x128xf32, #tpu.memory_space<vmem>>, vector<1x16xf32>,
      %get3A_86 = vector.shape_cast %get3A_85 : vector<1x16xf32> to vector<16xf32>
      %get3A_87 = arith.index_cast %add3A_52 : i32 to index
      %get3A_88 = arith.constant 16 : index
      %get3A_89 = tpu.vector_load %arg14[%get3A_87, %get3A_88] {strides = array<i32>} : memref<32x128xf32, #tpu.memory_space<vmem>>, vector<1x16xf32>,
      %get3A_90 = vector.shape_cast %get3A_89 : vector<1x16xf32> to vector<16xf32>
      %get3A_91 = arith.index_cast %add3A_52 : i32 to index
      %get3A_92 = arith.constant 32 : index
      %get3A_93 = tpu.vector_load %arg14[%get3A_91, %get3A_92] {strides = array<i32>} : memref<32x128xf32, #tpu.memory_space<vmem>>, vector<1x16xf32>,
      %get3A_94 = vector.shape_cast %get3A_93 : vector<1x16xf32> to vector<16xf32>
      %get3A_95 = arith.index_cast %add3A_52 : i32 to index
      %get3A_96 = arith.constant 48 : index
      %get3A_97 = tpu.vector_load %arg14[%get3A_95, %get3A_96] {strides = array<i32>} : memref<32x128xf32, #tpu.memory_space<vmem>>, vector<1x16xf32>,
      %get3A_98 = vector.shape_cast %get3A_97 : vector<1x16xf32> to vector<16xf32>
      %parallel_loop3A = arith.constant 0 : i32
      %parallel_loop3A_99 = arith.constant 200 : i32
      %parallel_loop3A_100 = arith.constant 1 : i32
      scf.for %parallel_loop3A_169 = %parallel_loop3A to %parallel_loop3A_99 step %parallel_loop3A_100  : i32 {
        %parallel_loop3A_170 = arith.index_cast %parallel_loop3A_169 : i32 to index
        %parallel_loop3A_171 = arith.constant 0 : index
        %parallel_loop3A_172 = tpu.vector_load %arg9[%parallel_loop3A_170, %parallel_loop3A_171] {strides = array<i32>} : memref<200x128xf32, #tpu.memory_space<vmem>>, vector<1x16xf32>,
        %parallel_loop3A_173 = vector.shape_cast %parallel_loop3A_172 : vector<1x16xf32> to vector<16xf32>
        %parallel_loop3A_174 = arith.constant 64 : i32
        %parallel_loop3A_175 = arith.muli %parallel_loop3A_169, %parallel_loop3A_174 : i32
        %parallel_loop3A_176 = arith.constant 0 : i32
        %parallel_loop3A_177 = arith.addi %parallel_loop3A_175, %parallel_loop3A_176 : i32
        %parallel_loop3A_178 = arith.index_cast %parallel_loop3A_177 : i32 to index
        %parallel_loop3A_179 = tpu.vector_load %arg13[%parallel_loop3A_178] {strides = array<i32>} : memref<12800xf32, #tpu.memory_space<vmem>>, vector<16xf32>,
        %parallel_loop3A_180 = vector.shape_cast %parallel_loop3A_179 : vector<16xf32> to vector<16xf32>
        %parallel_loop3A_181 = arith.addf %parallel_loop3A_173, %parallel_loop3A_180 : vector<16xf32>
        %parallel_loop3A_182 = arith.addf %parallel_loop3A_181, %get3A_86 : vector<16xf32>
        %parallel_loop3A_183 = arith.constant 64 : i32
        %parallel_loop3A_184 = arith.muli %parallel_loop3A_169, %parallel_loop3A_183 : i32
        %parallel_loop3A_185 = arith.constant 0 : i32
        %parallel_loop3A_186 = arith.addi %parallel_loop3A_184, %parallel_loop3A_185 : i32
        %parallel_loop3A_187 = arith.index_cast %parallel_loop3A_186 : i32 to index
        %parallel_loop3A_188 = tpu.vector_load %arg11[%parallel_loop3A_187] {strides = array<i32>} : memref<12800xf32, #tpu.memory_space<vmem>>, vector<16xf32>,
        %parallel_loop3A_189 = vector.shape_cast %parallel_loop3A_188 : vector<16xf32> to vector<16xf32>
        %parallel_loop3A_190 = vector.shape_cast %parallel_loop3A_182 : vector<16xf32> to vector<16xf32>
        tpu.vector_store %arg11[%parallel_loop3A_187], %parallel_loop3A_190 {strides = array<i32>} : memref<12800xf32, #tpu.memory_space<vmem>>, vector<16xf32>,
        %parallel_loop3A_191 = arith.index_cast %parallel_loop3A_169 : i32 to index
        %parallel_loop3A_192 = arith.constant 16 : index
        %parallel_loop3A_193 = tpu.vector_load %arg9[%parallel_loop3A_191, %parallel_loop3A_192] {strides = array<i32>} : memref<200x128xf32, #tpu.memory_space<vmem>>, vector<1x16xf32>,
        %parallel_loop3A_194 = vector.shape_cast %parallel_loop3A_193 : vector<1x16xf32> to vector<16xf32>
        %parallel_loop3A_195 = arith.constant 64 : i32
        %parallel_loop3A_196 = arith.muli %parallel_loop3A_169, %parallel_loop3A_195 : i32
        %parallel_loop3A_197 = arith.constant 16 : i32
        %parallel_loop3A_198 = arith.addi %parallel_loop3A_196, %parallel_loop3A_197 : i32
        %parallel_loop3A_199 = arith.index_cast %parallel_loop3A_198 : i32 to index
        %parallel_loop3A_200 = tpu.vector_load %arg13[%parallel_loop3A_199] {strides = array<i32>} : memref<12800xf32, #tpu.memory_space<vmem>>, vector<16xf32>,
        %parallel_loop3A_201 = vector.shape_cast %parallel_loop3A_200 : vector<16xf32> to vector<16xf32>
        %parallel_loop3A_202 = arith.addf %parallel_loop3A_194, %parallel_loop3A_201 : vector<16xf32>
        %parallel_loop3A_203 = arith.addf %parallel_loop3A_202, %get3A_90 : vector<16xf32>
        %parallel_loop3A_204 = arith.constant 64 : i32
        %parallel_loop3A_205 = arith.muli %parallel_loop3A_169, %parallel_loop3A_204 : i32
        %parallel_loop3A_206 = arith.constant 16 : i32
        %parallel_loop3A_207 = arith.addi %parallel_loop3A_205, %parallel_loop3A_206 : i32
        %parallel_loop3A_208 = arith.index_cast %parallel_loop3A_207 : i32 to index
        %parallel_loop3A_209 = tpu.vector_load %arg11[%parallel_loop3A_208] {strides = array<i32>} : memref<12800xf32, #tpu.memory_space<vmem>>, vector<16xf32>,
        %parallel_loop3A_210 = vector.shape_cast %parallel_loop3A_209 : vector<16xf32> to vector<16xf32>
        %parallel_loop3A_211 = vector.shape_cast %parallel_loop3A_203 : vector<16xf32> to vector<16xf32>
        tpu.vector_store %arg11[%parallel_loop3A_208], %parallel_loop3A_211 {strides = array<i32>} : memref<12800xf32, #tpu.memory_space<vmem>>, vector<16xf32>,
        %parallel_loop3A_212 = arith.index_cast %parallel_loop3A_169 : i32 to index
        %parallel_loop3A_213 = arith.constant 32 : index
        %parallel_loop3A_214 = tpu.vector_load %arg9[%parallel_loop3A_212, %parallel_loop3A_213] {strides = array<i32>} : memref<200x128xf32, #tpu.memory_space<vmem>>, vector<1x16xf32>,
        %parallel_loop3A_215 = vector.shape_cast %parallel_loop3A_214 : vector<1x16xf32> to vector<16xf32>
        %parallel_loop3A_216 = arith.constant 64 : i32
        %parallel_loop3A_217 = arith.muli %parallel_loop3A_169, %parallel_loop3A_216 : i32
        %parallel_loop3A_218 = arith.constant 32 : i32
        %parallel_loop3A_219 = arith.addi %parallel_loop3A_217, %parallel_loop3A_218 : i32
        %parallel_loop3A_220 = arith.index_cast %parallel_loop3A_219 : i32 to index
        %parallel_loop3A_221 = tpu.vector_load %arg13[%parallel_loop3A_220] {strides = array<i32>} : memref<12800xf32, #tpu.memory_space<vmem>>, vector<16xf32>,
        %parallel_loop3A_222 = vector.shape_cast %parallel_loop3A_221 : vector<16xf32> to vector<16xf32>
        %parallel_loop3A_223 = arith.addf %parallel_loop3A_215, %parallel_loop3A_222 : vector<16xf32>
        %parallel_loop3A_224 = arith.addf %parallel_loop3A_223, %get3A_94 : vector<16xf32>
        %parallel_loop3A_225 = arith.constant 64 : i32
        %parallel_loop3A_226 = arith.muli %parallel_loop3A_169, %parallel_loop3A_225 : i32
        %parallel_loop3A_227 = arith.constant 32 : i32
        %parallel_loop3A_228 = arith.addi %parallel_loop3A_226, %parallel_loop3A_227 : i32
        %parallel_loop3A_229 = arith.index_cast %parallel_loop3A_228 : i32 to index
        %parallel_loop3A_230 = tpu.vector_load %arg11[%parallel_loop3A_229] {strides = array<i32>} : memref<12800xf32, #tpu.memory_space<vmem>>, vector<16xf32>,
        %parallel_loop3A_231 = vector.shape_cast %parallel_loop3A_230 : vector<16xf32> to vector<16xf32>
        %parallel_loop3A_232 = vector.shape_cast %parallel_loop3A_224 : vector<16xf32> to vector<16xf32>
        tpu.vector_store %arg11[%parallel_loop3A_229], %parallel_loop3A_232 {strides = array<i32>} : memref<12800xf32, #tpu.memory_space<vmem>>, vector<16xf32>,
        %parallel_loop3A_233 = arith.index_cast %parallel_loop3A_169 : i32 to index
        %parallel_loop3A_234 = arith.constant 48 : index
        %parallel_loop3A_235 = tpu.vector_load %arg9[%parallel_loop3A_233, %parallel_loop3A_234] {strides = array<i32>} : memref<200x128xf32, #tpu.memory_space<vmem>>, vector<1x16xf32>,
        %parallel_loop3A_236 = vector.shape_cast %parallel_loop3A_235 : vector<1x16xf32> to vector<16xf32>
        %parallel_loop3A_237 = arith.constant 64 : i32
        %parallel_loop3A_238 = arith.muli %parallel_loop3A_169, %parallel_loop3A_237 : i32
        %parallel_loop3A_239 = arith.constant 48 : i32
        %parallel_loop3A_240 = arith.addi %parallel_loop3A_238, %parallel_loop3A_239 : i32
        %parallel_loop3A_241 = arith.index_cast %parallel_loop3A_240 : i32 to index
        %parallel_loop3A_242 = tpu.vector_load %arg13[%parallel_loop3A_241] {strides = array<i32>} : memref<12800xf32, #tpu.memory_space<vmem>>, vector<16xf32>,
        %parallel_loop3A_243 = vector.shape_cast %parallel_loop3A_242 : vector<16xf32> to vector<16xf32>
        %parallel_loop3A_244 = arith.addf %parallel_loop3A_236, %parallel_loop3A_243 : vector<16xf32>
        %parallel_loop3A_245 = arith.addf %parallel_loop3A_244, %get3A_98 : vector<16xf32>
        %parallel_loop3A_246 = arith.constant 64 : i32
        %parallel_loop3A_247 = arith.muli %parallel_loop3A_169, %parallel_loop3A_246 : i32
        %parallel_loop3A_248 = arith.constant 48 : i32
        %parallel_loop3A_249 = arith.addi %parallel_loop3A_247, %parallel_loop3A_248 : i32
        %parallel_loop3A_250 = arith.index_cast %parallel_loop3A_249 : i32 to index
        %parallel_loop3A_251 = tpu.vector_load %arg11[%parallel_loop3A_250] {strides = array<i32>} : memref<12800xf32, #tpu.memory_space<vmem>>, vector<16xf32>,
        %parallel_loop3A_252 = vector.shape_cast %parallel_loop3A_251 : vector<16xf32> to vector<16xf32>
        %parallel_loop3A_253 = vector.shape_cast %parallel_loop3A_245 : vector<16xf32> to vector<16xf32>
        tpu.vector_store %arg11[%parallel_loop3A_250], %parallel_loop3A_253 {strides = array<i32>} : memref<12800xf32, #tpu.memory_space<vmem>>, vector<16xf32>,
      } {sc.loop_unroll_factor = 4 : i64, sc.parallel_access}
      %mul3A_101 = arith.constant 200 : i32
      %mul3A_102 = arith.muli %add3A_53, %mul3A_101 : i32
      %mul3A_103 = arith.constant 64 : i32
      %mul3A_104 = arith.muli %mul3A_102, %mul3A_103 : i32
      %dma_start3A_105 = tpu.memref_slice %arg7[%mul3A_104] : memref<13107200xf32, #tpu.memory_space<hbm>> -> memref<12800xf32, #tpu.memory_space<hbm>>
      %dma_start3A_106 = tpu.memref_slice %arg7[%mul3A_104] : memref<13107200xf32, #tpu.memory_space<hbm>> -> memref<12800xf32, #tpu.memory_space<hbm>>
      tpu.enqueue_dma source(%arg11 : memref<12800xf32, #tpu.memory_space<vmem>>) target(%dma_start3A_106 : memref<12800xf32, #tpu.memory_space<hbm>>) target_semaphore(%arg18 : memref<!tpu.dma_semaphore, #tpu.memory_space<semaphore_mem>>)
      %add3A_107 = arith.constant 1 : i32
      %add3A_108 = arith.addi %add3A_50, %add3A_107 : i32
      %add3A_109 = arith.addi %mul3A_2, %add3A_108 : i32
      %add3A_110 = arith.constant 1 : i32
      %add3A_111 = arith.addi %add3A_108, %add3A_110 : i32
      %lt3A_112 = arith.constant 32 : i32
      %lt3A_113 = arith.cmpi slt, %add3A_111, %lt3A_112 : i32
      %convert_element_type3A_114 = arith.extui %lt3A_113 : i1 to i32
      %cond3A_115 = arith.constant 0 : i32
      %cond3A_116 = arith.cmpi ne, %convert_element_type3A_114, %cond3A_115 : i32
      scf.if %cond3A_116 {
        %add3A_169 = arith.constant 1 : i32
        %add3A_170 = arith.addi %add3A_108, %add3A_169 : i32
        %mul3A_171 = arith.constant 200 : i32
        %mul3A_172 = arith.muli %add3A_170, %mul3A_171 : i32
        %add3A_173 = arith.constant 0 : i32
        %add3A_174 = arith.addi %mul3A_172, %add3A_173 : i32
        %dma_start3A_175 = arith.constant 0 : i32
        %dma_start3A_176 = arith.constant 0 : i32
        %dma_start3A_177 = tpu.memref_slice %arg9[%dma_start3A_175, %dma_start3A_176] : memref<200x128xf32, #tpu.memory_space<vmem>> -> memref<128x128xf32, #tpu.memory_space<vmem>>
        %dma_start3A_178 = tpu.memref_slice %arg8[%add3A_174] : memref<6400xi32, #tpu.memory_space<vmem>> -> memref<128xi32, #tpu.memory_space<vmem>>
        %dma_start3A_179 = arith.constant 0 : i32
        %dma_start3A_180 = arith.constant 0 : i32
        %dma_start3A_181 = tpu.memref_slice %arg4[%dma_start3A_179, %dma_start3A_180] : memref<1000000x128xf32, #tpu.memory_space<hbm>> -> memref<1000000x128xf32, #tpu.memory_space<hbm>>
        tpu.enqueue_indirect_dma source(%dma_start3A_181 : memref<1000000x128xf32, #tpu.memory_space<hbm>>) target(%dma_start3A_177 : memref<128x128xf32, #tpu.memory_space<vmem>>) offsets(%dma_start3A_178 : memref<128xi32, #tpu.memory_space<vmem>>) semaphore(%arg16 : memref<!tpu.dma_semaphore, #tpu.memory_space<semaphore_mem>>)
        %mul3A_182 = arith.constant 200 : i32
        %mul3A_183 = arith.muli %add3A_170, %mul3A_182 : i32
        %add3A_184 = arith.constant 128 : i32
        %add3A_185 = arith.addi %mul3A_183, %add3A_184 : i32
        %dma_start3A_186 = arith.constant 128 : i32
        %dma_start3A_187 = arith.constant 0 : i32
        %dma_start3A_188 = tpu.memref_slice %arg9[%dma_start3A_186, %dma_start3A_187] : memref<200x128xf32, #tpu.memory_space<vmem>> -> memref<72x128xf32, #tpu.memory_space<vmem>>
        %dma_start3A_189 = tpu.memref_slice %arg8[%add3A_185] : memref<6400xi32, #tpu.memory_space<vmem>> -> memref<72xi32, #tpu.memory_space<vmem>>
        %dma_start3A_190 = arith.constant 0 : i32
        %dma_start3A_191 = arith.constant 0 : i32
        %dma_start3A_192 = tpu.memref_slice %arg4[%dma_start3A_190, %dma_start3A_191] : memref<1000000x128xf32, #tpu.memory_space<hbm>> -> memref<1000000x128xf32, #tpu.memory_space<hbm>>
        tpu.enqueue_indirect_dma source(%dma_start3A_192 : memref<1000000x128xf32, #tpu.memory_space<hbm>>) target(%dma_start3A_188 : memref<72x128xf32, #tpu.memory_space<vmem>>) offsets(%dma_start3A_189 : memref<72xi32, #tpu.memory_space<vmem>>) semaphore(%arg16 : memref<!tpu.dma_semaphore, #tpu.memory_space<semaphore_mem>>)
      } else {
      }
      %mul3A_117 = arith.constant 200 : i32
      %mul3A_118 = arith.muli %add3A_108, %mul3A_117 : i32
      %add3A_119 = arith.constant 0 : i32
      %add3A_120 = arith.addi %mul3A_118, %add3A_119 : i32
      %dma_wait3A_121 = arith.constant 0 : i32
      %dma_wait3A_122 = arith.constant 0 : i32
      %dma_wait3A_123 = tpu.memref_slice %arg10[%dma_wait3A_121, %dma_wait3A_122] : memref<200x128xf32, #tpu.memory_space<vmem>> -> memref<128x128xf32, #tpu.memory_space<vmem>>
      %dma_wait3A_124 = tpu.memref_slice %arg8[%add3A_120] : memref<6400xi32, #tpu.memory_space<vmem>> -> memref<128xi32, #tpu.memory_space<vmem>>
      %dma_wait3A_125 = arith.constant 0 : i32
      %dma_wait3A_126 = arith.constant 0 : i32
      %dma_wait3A_127 = tpu.memref_slice %arg4[%dma_wait3A_125, %dma_wait3A_126] : memref<1000000x128xf32, #tpu.memory_space<hbm>> -> memref<1000000x128xf32, #tpu.memory_space<hbm>>
      tpu.wait_indirect_dma semaphore(%arg17 : memref<!tpu.dma_semaphore, #tpu.memory_space<semaphore_mem>>) src(%dma_wait3A_127 : memref<1000000x128xf32, #tpu.memory_space<hbm>>) dst(%dma_wait3A_123 : memref<128x128xf32, #tpu.memory_space<vmem>>)
      %mul3A_128 = arith.constant 200 : i32
      %mul3A_129 = arith.muli %add3A_108, %mul3A_128 : i32
      %add3A_130 = arith.constant 128 : i32
      %add3A_131 = arith.addi %mul3A_129, %add3A_130 : i32
      %dma_wait3A_132 = arith.constant 128 : i32
      %dma_wait3A_133 = arith.constant 0 : i32
      %dma_wait3A_134 = tpu.memref_slice %arg10[%dma_wait3A_132, %dma_wait3A_133] : memref<200x128xf32, #tpu.memory_space<vmem>> -> memref<72x128xf32, #tpu.memory_space<vmem>>
      %dma_wait3A_135 = tpu.memref_slice %arg8[%add3A_131] : memref<6400xi32, #tpu.memory_space<vmem>> -> memref<72xi32, #tpu.memory_space<vmem>>
      %dma_wait3A_136 = arith.constant 0 : i32
      %dma_wait3A_137 = arith.constant 0 : i32
      %dma_wait3A_138 = tpu.memref_slice %arg4[%dma_wait3A_136, %dma_wait3A_137] : memref<1000000x128xf32, #tpu.memory_space<hbm>> -> memref<1000000x128xf32, #tpu.memory_space<hbm>>
      tpu.wait_indirect_dma semaphore(%arg17 : memref<!tpu.dma_semaphore, #tpu.memory_space<semaphore_mem>>) src(%dma_wait3A_138 : memref<1000000x128xf32, #tpu.memory_space<hbm>>) dst(%dma_wait3A_134 : memref<72x128xf32, #tpu.memory_space<vmem>>)
      %ge3A_139 = arith.constant 2 : i32
      %ge3A_140 = arith.cmpi sge, %add3A_108, %ge3A_139 : i32
      %convert_element_type3A_141 = arith.extui %ge3A_140 : i1 to i32
      %cond3A_142 = arith.constant 0 : i32
      %cond3A_143 = arith.cmpi ne, %convert_element_type3A_141, %cond3A_142 : i32
      scf.if %cond3A_143 {
        %sub3A_169 = arith.constant 2 : i32
        %sub3A_170 = arith.subi %add3A_109, %sub3A_169 : i32
        %mul3A_171 = arith.constant 200 : i32
        %mul3A_172 = arith.muli %sub3A_170, %mul3A_171 : i32
        %mul3A_173 = arith.constant 64 : i32
        %mul3A_174 = arith.muli %mul3A_172, %mul3A_173 : i32
        %dma_wait3A_175 = tpu.memref_slice %arg7[%mul3A_174] : memref<13107200xf32, #tpu.memory_space<hbm>> -> memref<12800xf32, #tpu.memory_space<hbm>>
        %dma_wait3A_176 = tpu.memref_slice %arg7[%mul3A_174] : memref<13107200xf32, #tpu.memory_space<hbm>> -> memref<12800xf32, #tpu.memory_space<hbm>>
        tpu.wait_dma2 semaphore(%arg19 : memref<!tpu.dma_semaphore, #tpu.memory_space<semaphore_mem>>) src(%arg12 : memref<12800xf32, #tpu.memory_space<vmem>>) dst(%dma_wait3A_176 : memref<12800xf32, #tpu.memory_space<hbm>>)
      } else {
      }
      %get3A_144 = arith.index_cast %add3A_108 : i32 to index
      %get3A_145 = arith.constant 0 : index
      %get3A_146 = tpu.vector_load %arg14[%get3A_144, %get3A_145] {strides = array<i32>} : memref<32x128xf32, #tpu.memory_space<vmem>>, vector<1x16xf32>,
      %get3A_147 = vector.shape_cast %get3A_146 : vector<1x16xf32> to vector<16xf32>
      %get3A_148 = arith.index_cast %add3A_108 : i32 to index
      %get3A_149 = arith.constant 16 : index
      %get3A_150 = tpu.vector_load %arg14[%get3A_148, %get3A_149] {strides = array<i32>} : memref<32x128xf32, #tpu.memory_space<vmem>>, vector<1x16xf32>,
      %get3A_151 = vector.shape_cast %get3A_150 : vector<1x16xf32> to vector<16xf32>
      %get3A_152 = arith.index_cast %add3A_108 : i32 to index
      %get3A_153 = arith.constant 32 : index
      %get3A_154 = tpu.vector_load %arg14[%get3A_152, %get3A_153] {strides = array<i32>} : memref<32x128xf32, #tpu.memory_space<vmem>>, vector<1x16xf32>,
      %get3A_155 = vector.shape_cast %get3A_154 : vector<1x16xf32> to vector<16xf32>
      %get3A_156 = arith.index_cast %add3A_108 : i32 to index
      %get3A_157 = arith.constant 48 : index
      %get3A_158 = tpu.vector_load %arg14[%get3A_156, %get3A_157] {strides = array<i32>} : memref<32x128xf32, #tpu.memory_space<vmem>>, vector<1x16xf32>,
      %get3A_159 = vector.shape_cast %get3A_158 : vector<1x16xf32> to vector<16xf32>
      %parallel_loop3A_160 = arith.constant 0 : i32
      %parallel_loop3A_161 = arith.constant 200 : i32
      %parallel_loop3A_162 = arith.constant 1 : i32
      scf.for %parallel_loop3A_169 = %parallel_loop3A_160 to %parallel_loop3A_161 step %parallel_loop3A_162  : i32 {
        %parallel_loop3A_170 = arith.index_cast %parallel_loop3A_169 : i32 to index
        %parallel_loop3A_171 = arith.constant 0 : index
        %parallel_loop3A_172 = tpu.vector_load %arg10[%parallel_loop3A_170, %parallel_loop3A_171] {strides = array<i32>} : memref<200x128xf32, #tpu.memory_space<vmem>>, vector<1x16xf32>,
        %parallel_loop3A_173 = vector.shape_cast %parallel_loop3A_172 : vector<1x16xf32> to vector<16xf32>
        %parallel_loop3A_174 = arith.constant 64 : i32
        %parallel_loop3A_175 = arith.muli %parallel_loop3A_169, %parallel_loop3A_174 : i32
        %parallel_loop3A_176 = arith.constant 0 : i32
        %parallel_loop3A_177 = arith.addi %parallel_loop3A_175, %parallel_loop3A_176 : i32
        %parallel_loop3A_178 = arith.index_cast %parallel_loop3A_177 : i32 to index
        %parallel_loop3A_179 = tpu.vector_load %arg13[%parallel_loop3A_178] {strides = array<i32>} : memref<12800xf32, #tpu.memory_space<vmem>>, vector<16xf32>,
        %parallel_loop3A_180 = vector.shape_cast %parallel_loop3A_179 : vector<16xf32> to vector<16xf32>
        %parallel_loop3A_181 = arith.addf %parallel_loop3A_173, %parallel_loop3A_180 : vector<16xf32>
        %parallel_loop3A_182 = arith.addf %parallel_loop3A_181, %get3A_147 : vector<16xf32>
        %parallel_loop3A_183 = arith.constant 64 : i32
        %parallel_loop3A_184 = arith.muli %parallel_loop3A_169, %parallel_loop3A_183 : i32
        %parallel_loop3A_185 = arith.constant 0 : i32
        %parallel_loop3A_186 = arith.addi %parallel_loop3A_184, %parallel_loop3A_185 : i32
        %parallel_loop3A_187 = arith.index_cast %parallel_loop3A_186 : i32 to index
        %parallel_loop3A_188 = tpu.vector_load %arg12[%parallel_loop3A_187] {strides = array<i32>} : memref<12800xf32, #tpu.memory_space<vmem>>, vector<16xf32>,
        %parallel_loop3A_189 = vector.shape_cast %parallel_loop3A_188 : vector<16xf32> to vector<16xf32>
        %parallel_loop3A_190 = vector.shape_cast %parallel_loop3A_182 : vector<16xf32> to vector<16xf32>
        tpu.vector_store %arg12[%parallel_loop3A_187], %parallel_loop3A_190 {strides = array<i32>} : memref<12800xf32, #tpu.memory_space<vmem>>, vector<16xf32>,
        %parallel_loop3A_191 = arith.index_cast %parallel_loop3A_169 : i32 to index
        %parallel_loop3A_192 = arith.constant 16 : index
        %parallel_loop3A_193 = tpu.vector_load %arg10[%parallel_loop3A_191, %parallel_loop3A_192] {strides = array<i32>} : memref<200x128xf32, #tpu.memory_space<vmem>>, vector<1x16xf32>,
        %parallel_loop3A_194 = vector.shape_cast %parallel_loop3A_193 : vector<1x16xf32> to vector<16xf32>
        %parallel_loop3A_195 = arith.constant 64 : i32
        %parallel_loop3A_196 = arith.muli %parallel_loop3A_169, %parallel_loop3A_195 : i32
        %parallel_loop3A_197 = arith.constant 16 : i32
        %parallel_loop3A_198 = arith.addi %parallel_loop3A_196, %parallel_loop3A_197 : i32
        %parallel_loop3A_199 = arith.index_cast %parallel_loop3A_198 : i32 to index
        %parallel_loop3A_200 = tpu.vector_load %arg13[%parallel_loop3A_199] {strides = array<i32>} : memref<12800xf32, #tpu.memory_space<vmem>>, vector<16xf32>,
        %parallel_loop3A_201 = vector.shape_cast %parallel_loop3A_200 : vector<16xf32> to vector<16xf32>
        %parallel_loop3A_202 = arith.addf %parallel_loop3A_194, %parallel_loop3A_201 : vector<16xf32>
        %parallel_loop3A_203 = arith.addf %parallel_loop3A_202, %get3A_151 : vector<16xf32>
        %parallel_loop3A_204 = arith.constant 64 : i32
        %parallel_loop3A_205 = arith.muli %parallel_loop3A_169, %parallel_loop3A_204 : i32
        %parallel_loop3A_206 = arith.constant 16 : i32
        %parallel_loop3A_207 = arith.addi %parallel_loop3A_205, %parallel_loop3A_206 : i32
        %parallel_loop3A_208 = arith.index_cast %parallel_loop3A_207 : i32 to index
        %parallel_loop3A_209 = tpu.vector_load %arg12[%parallel_loop3A_208] {strides = array<i32>} : memref<12800xf32, #tpu.memory_space<vmem>>, vector<16xf32>,
        %parallel_loop3A_210 = vector.shape_cast %parallel_loop3A_209 : vector<16xf32> to vector<16xf32>
        %parallel_loop3A_211 = vector.shape_cast %parallel_loop3A_203 : vector<16xf32> to vector<16xf32>
        tpu.vector_store %arg12[%parallel_loop3A_208], %parallel_loop3A_211 {strides = array<i32>} : memref<12800xf32, #tpu.memory_space<vmem>>, vector<16xf32>,
        %parallel_loop3A_212 = arith.index_cast %parallel_loop3A_169 : i32 to index
        %parallel_loop3A_213 = arith.constant 32 : index
        %parallel_loop3A_214 = tpu.vector_load %arg10[%parallel_loop3A_212, %parallel_loop3A_213] {strides = array<i32>} : memref<200x128xf32, #tpu.memory_space<vmem>>, vector<1x16xf32>,
        %parallel_loop3A_215 = vector.shape_cast %parallel_loop3A_214 : vector<1x16xf32> to vector<16xf32>
        %parallel_loop3A_216 = arith.constant 64 : i32
        %parallel_loop3A_217 = arith.muli %parallel_loop3A_169, %parallel_loop3A_216 : i32
        %parallel_loop3A_218 = arith.constant 32 : i32
        %parallel_loop3A_219 = arith.addi %parallel_loop3A_217, %parallel_loop3A_218 : i32
        %parallel_loop3A_220 = arith.index_cast %parallel_loop3A_219 : i32 to index
        %parallel_loop3A_221 = tpu.vector_load %arg13[%parallel_loop3A_220] {strides = array<i32>} : memref<12800xf32, #tpu.memory_space<vmem>>, vector<16xf32>,
        %parallel_loop3A_222 = vector.shape_cast %parallel_loop3A_221 : vector<16xf32> to vector<16xf32>
        %parallel_loop3A_223 = arith.addf %parallel_loop3A_215, %parallel_loop3A_222 : vector<16xf32>
        %parallel_loop3A_224 = arith.addf %parallel_loop3A_223, %get3A_155 : vector<16xf32>
        %parallel_loop3A_225 = arith.constant 64 : i32
        %parallel_loop3A_226 = arith.muli %parallel_loop3A_169, %parallel_loop3A_225 : i32
        %parallel_loop3A_227 = arith.constant 32 : i32
        %parallel_loop3A_228 = arith.addi %parallel_loop3A_226, %parallel_loop3A_227 : i32
        %parallel_loop3A_229 = arith.index_cast %parallel_loop3A_228 : i32 to index
        %parallel_loop3A_230 = tpu.vector_load %arg12[%parallel_loop3A_229] {strides = array<i32>} : memref<12800xf32, #tpu.memory_space<vmem>>, vector<16xf32>,
        %parallel_loop3A_231 = vector.shape_cast %parallel_loop3A_230 : vector<16xf32> to vector<16xf32>
        %parallel_loop3A_232 = vector.shape_cast %parallel_loop3A_224 : vector<16xf32> to vector<16xf32>
        tpu.vector_store %arg12[%parallel_loop3A_229], %parallel_loop3A_232 {strides = array<i32>} : memref<12800xf32, #tpu.memory_space<vmem>>, vector<16xf32>,
        %parallel_loop3A_233 = arith.index_cast %parallel_loop3A_169 : i32 to index
        %parallel_loop3A_234 = arith.constant 48 : index
        %parallel_loop3A_235 = tpu.vector_load %arg10[%parallel_loop3A_233, %parallel_loop3A_234] {strides = array<i32>} : memref<200x128xf32, #tpu.memory_space<vmem>>, vector<1x16xf32>,
        %parallel_loop3A_236 = vector.shape_cast %parallel_loop3A_235 : vector<1x16xf32> to vector<16xf32>
        %parallel_loop3A_237 = arith.constant 64 : i32
        %parallel_loop3A_238 = arith.muli %parallel_loop3A_169, %parallel_loop3A_237 : i32
        %parallel_loop3A_239 = arith.constant 48 : i32
        %parallel_loop3A_240 = arith.addi %parallel_loop3A_238, %parallel_loop3A_239 : i32
        %parallel_loop3A_241 = arith.index_cast %parallel_loop3A_240 : i32 to index
        %parallel_loop3A_242 = tpu.vector_load %arg13[%parallel_loop3A_241] {strides = array<i32>} : memref<12800xf32, #tpu.memory_space<vmem>>, vector<16xf32>,
        %parallel_loop3A_243 = vector.shape_cast %parallel_loop3A_242 : vector<16xf32> to vector<16xf32>
        %parallel_loop3A_244 = arith.addf %parallel_loop3A_236, %parallel_loop3A_243 : vector<16xf32>
        %parallel_loop3A_245 = arith.addf %parallel_loop3A_244, %get3A_159 : vector<16xf32>
        %parallel_loop3A_246 = arith.constant 64 : i32
        %parallel_loop3A_247 = arith.muli %parallel_loop3A_169, %parallel_loop3A_246 : i32
        %parallel_loop3A_248 = arith.constant 48 : i32
        %parallel_loop3A_249 = arith.addi %parallel_loop3A_247, %parallel_loop3A_248 : i32
        %parallel_loop3A_250 = arith.index_cast %parallel_loop3A_249 : i32 to index
        %parallel_loop3A_251 = tpu.vector_load %arg12[%parallel_loop3A_250] {strides = array<i32>} : memref<12800xf32, #tpu.memory_space<vmem>>, vector<16xf32>,
        %parallel_loop3A_252 = vector.shape_cast %parallel_loop3A_251 : vector<16xf32> to vector<16xf32>
        %parallel_loop3A_253 = vector.shape_cast %parallel_loop3A_245 : vector<16xf32> to vector<16xf32>
        tpu.vector_store %arg12[%parallel_loop3A_250], %parallel_loop3A_253 {strides = array<i32>} : memref<12800xf32, #tpu.memory_space<vmem>>, vector<16xf32>,
      } {sc.loop_unroll_factor = 4 : i64, sc.parallel_access}
      %mul3A_163 = arith.constant 200 : i32
      %mul3A_164 = arith.muli %add3A_109, %mul3A_163 : i32
      %mul3A_165 = arith.constant 64 : i32
      %mul3A_166 = arith.muli %mul3A_164, %mul3A_165 : i32
      %dma_start3A_167 = tpu.memref_slice %arg7[%mul3A_166] : memref<13107200xf32, #tpu.memory_space<hbm>> -> memref<12800xf32, #tpu.memory_space<hbm>>
      %dma_start3A_168 = tpu.memref_slice %arg7[%mul3A_166] : memref<13107200xf32, #tpu.memory_space<hbm>> -> memref<12800xf32, #tpu.memory_space<hbm>>
      tpu.enqueue_dma source(%arg12 : memref<12800xf32, #tpu.memory_space<vmem>>) target(%dma_start3A_168 : memref<12800xf32, #tpu.memory_space<hbm>>) target_semaphore(%arg19 : memref<!tpu.dma_semaphore, #tpu.memory_space<semaphore_mem>>)
    }
    %scan3A_28 = arith.constant 16 : i32
    %add3A_29 = arith.constant 32 : i32
    %add3A_30 = arith.addi %mul3A_2, %add3A_29 : i32
    %sub3A = arith.constant 2 : i32
    %sub3A_31 = arith.subi %add3A_30, %sub3A : i32
    %mul3A_32 = arith.constant 200 : i32
    %mul3A_33 = arith.muli %sub3A_31, %mul3A_32 : i32
    %mul3A_34 = arith.constant 64 : i32
    %mul3A_35 = arith.muli %mul3A_33, %mul3A_34 : i32
    %dma_wait3A_36 = tpu.memref_slice %arg7[%mul3A_35] : memref<13107200xf32, #tpu.memory_space<hbm>> -> memref<12800xf32, #tpu.memory_space<hbm>>
    %dma_wait3A_37 = tpu.memref_slice %arg7[%mul3A_35] : memref<13107200xf32, #tpu.memory_space<hbm>> -> memref<12800xf32, #tpu.memory_space<hbm>>
    tpu.wait_dma2 semaphore(%arg18 : memref<!tpu.dma_semaphore, #tpu.memory_space<semaphore_mem>>) src(%arg11 : memref<12800xf32, #tpu.memory_space<vmem>>) dst(%dma_wait3A_37 : memref<12800xf32, #tpu.memory_space<hbm>>)
    %sub3A_38 = arith.constant 1 : i32
    %sub3A_39 = arith.subi %add3A_30, %sub3A_38 : i32
    %mul3A_40 = arith.constant 200 : i32
    %mul3A_41 = arith.muli %sub3A_39, %mul3A_40 : i32
    %mul3A_42 = arith.constant 64 : i32
    %mul3A_43 = arith.muli %mul3A_41, %mul3A_42 : i32
    %dma_wait3A_44 = tpu.memref_slice %arg7[%mul3A_43] : memref<13107200xf32, #tpu.memory_space<hbm>> -> memref<12800xf32, #tpu.memory_space<hbm>>
    %dma_wait3A_45 = tpu.memref_slice %arg7[%mul3A_43] : memref<13107200xf32, #tpu.memory_space<hbm>> -> memref<12800xf32, #tpu.memory_space<hbm>>
    tpu.wait_dma2 semaphore(%arg19 : memref<!tpu.dma_semaphore, #tpu.memory_space<semaphore_mem>>) src(%arg12 : memref<12800xf32, #tpu.memory_space<vmem>>) dst(%dma_wait3A_45 : memref<12800xf32, #tpu.memory_space<hbm>>)
    return
  }
}

</mosaic_0001>

<sc_bundles>
// kernel: _run.3.cloned.1.call-start
scs
__scs_entry_jumppad:
0x0: {  	(pc) =	sbr.rel $0x88, $3  }
0x1: {  	(tag) =	ssettag $0x0;
	lr =	simm.s32 $0x1  }
0x2: {  	[smem:$0x3F9C] =	sst lr;
	_ =	strace $0xD0000000  }
0x3: {  	_ = 	snop  }
0x4: {  	_ = 	snop  }
0x5: {  	_ = 	snop  }
0x6: {  	_ = 	snop  }
0x7: {  	_ = 	snop  }
__scs_overlays_trampoline_lowered:
0x8: {  	[smem:$0x3FAB] =	sst s0  }
0x9: {  	[smem:$0x3FAC] =	sst s1  }
0xa: {  	[smem:$0x3FAD] =	sst s2  }
0xb: {  	[smem:$0x3FAE] =	sst s3  }
0xc: {  	[smem:$0x3FAF] =	sst s4  }
0xd: {  	[smem:$0x3FB0] =	sst s5  }
0xe: {  	[smem:$0x3FB1] =	sst s6  }
0xf: {  	[smem:$0x3FB2] =	sst s7  }
0x10: {  	[smem:$0x3FB3] =	sst s8  }
0x11: {  	[smem:$0x3FB4] =	sst s9;
	s0 =	simm.s32 @!p0 $0x0  }
0x12: {  	s1 =	sld [smem:$0x3F9A];
	s0 =	simm.s32 @p0 $0x1  }
0x13: {  	[smem:$0x3FB5] =	sst s0;
	s0 =	simm.s32 @!p1 $0x0  }
0x14: {  	s2 =	sld [smem:$0x3F99];
	s0 =	simm.s32 @p1 $0x1  }
0x15: {  	[smem:$0x3FB6] =	sst s0;
	s0 =	simm.s32 @!p2 $0x0  }
0x16: {  	s3 =	sld [smem:$0x3FDB];
	s0 =	simm.s32 @p2 $0x1  }
0x17: {  	s4 =	simm.s32 $0x1BF5;
	[smem:$0x3FB8] =	sst s0  }
0x18: {  	s0 =	sld [smem:$0x3F9B];
	_ =	swait.ge [sflag:s4], $0x0  }
0x19: {  	s7 =	sld [smem:$0x3F9C]  }
0x1a: {  	s8 =	sadd.s32 $0xFFFFE003, lr  }
0x1b: {  	s9 =	sadd.s32 $0xFFFFFEF7, lr;
	s5 =	simm.s32 $0xFFFFFFFF;
	p2 =	slt.u32 s8, $0xFFFFF086  }
0x1c: {  	p1 =	slt.u32 s9, $0xF7A;
	s5 =	simm.s32 @!p2 $0x0  }
0x1d: {  	s5 =	simm.s32 @p1 $0x1;
	p0 =	seq.s32 s7, s2  }
0x1e: {  	s7 =	smul.u32 @!p0 $0xF7A, s2;
	p2 =	seq.s32 @!p0 s5, $0x0  }
0x1f: {  	s9 =	smul.u32 $0xF7A, s1;
	s8 =	simm.s32 @!p0 $0x1BF5;
	p2 =	por !p2, p0  }
0x20: {  	[sflag:s8] =	ssyncset.s32 @!p0 $0xFFFFF086;
	s6 =	sadd.s32 @!p0 s3, s7;
	s7 =	simm.s32 @!p0 $0x108  }
0x21: {  	s3 =	sadd.s32 s3, s9;
	s6 =	sadd.s32 @!p0 $0x88, s6;
	s7 =	simm.s32 @p2 $0x1082  }
0x22: {  	[simem:s7], [sflag:s8] =	dma.local @!p0 [hbm:s6], $0xF7A  }
0x23: {  	s9 =	sor.u32 $0xD0000000, s2;
	s6 =	simm.s32 $0x108;
	_ =	swait.ge @!p0 [sflag:s8], $0x0  }
0x24: {  	s3 =	sadd.s32 $0x88, s3;
	s6 =	simm.s32 @!p1 $0x1082;
	[sflag:s4] =	ssyncset.s32 $0xFFFFF086  }
0x25: {  	[simem:s6], [sflag:s4] =	dma.local [hbm:s3], $0xF7A  }
0x26: {  	[smem:$0x3F9C] =	sst s1;
	(tag) =	ssettag s2;
	_ =	strace s9  }
0x27: {  	s1 =	sld [smem:$0x3FAC]  }
0x28: {  	s2 =	sld [smem:$0x3FAD]  }
0x29: {  	s4 =	sld [smem:$0x3FAF]  }
0x2a: {  	p0 =	seq.s32 s5, $0x0;
	s5 =	sld [smem:$0x3FB0]  }
0x2b: {  	s6 =	sld [smem:$0x3FB1]  }
0x2c: {  	s7 =	sld [smem:$0x3FB2]  }
0x2d: {  	s3 =	simm.s32 $0x108;
	s8 =	sld [smem:$0x3FB3]  }
0x2e: {  	s3 =	simm.s32 @!p0 $0x1082;
	s9 =	sld [smem:$0x3FB4]  }
0x2f: {  	lr =	sadd.s32 s0, s3;
	s0 =	sld [smem:$0x3FAB]  }
0x30: {  	s3 =	sld [smem:$0x3FAE]  }
0x31: {  	[smem:$0x3FB7] =	sst s10  }
0x32: {  	s10 =	sld [smem:$0x3FB5];
	_ =	sdelay $0x3  }
0x33: {  	p0 =	seq.s32 s10, $0x1;
	s10 =	sld [smem:$0x3FB7];
	_ =	sdelay $0x3  }
0x34: {  	[smem:$0x3FB7] =	sst s10  }
0x35: {  	s10 =	sld [smem:$0x3FB6];
	_ =	sdelay $0x3  }
0x36: {  	p1 =	seq.s32 s10, $0x1;
	s10 =	sld [smem:$0x3FB7];
	_ =	sdelay $0x3  }
0x37: {  	[smem:$0x3FB7] =	sst s10  }
0x38: {  	s10 =	sld [smem:$0x3FB8]  }
0x39: {  	_ = 	snop;
	(pc) =	sbr.ind lr, $3  }
0x3a: {  	_ = 	snop  }
0x3b: {  	_ = 	snop  }
0x3c: {  	p2 =	seq.s32 s10, $0x1;
	s10 =	sld [smem:$0x3FB7]  }
0x3d: {  	_ =	shalt  }
0x3e: {  	_ =	shalt  }
0x3f: {  	_ =	shalt  }
0x40: {  	_ =	shalt  }
0x41: {  	_ =	shalt  }
0x42: {  	_ =	shalt  }
0x43: {  	_ =	shalt  }
0x44: {  	_ =	shalt  }
0x45: {  	_ =	shalt  }
0x46: {  	_ =	shalt  }
0x47: {  	_ =	shalt  }
0x48: {  	_ =	shalt  }
0x49: {  	_ =	shalt  }
0x4a: {  	_ =	shalt  }
0x4b: {  	_ =	shalt  }
0x4c: {  	_ =	shalt  }
0x4d: {  	_ =	shalt  }
0x4e: {  	_ =	shalt  }
0x4f: {  	_ =	shalt  }
0x50: {  	_ =	shalt  }
0x51: {  	_ =	shalt  }
0x52: {  	_ =	shalt  }
0x53: {  	_ =	shalt  }
0x54: {  	_ =	shalt  }
0x55: {  	_ =	shalt  }
0x56: {  	_ =	shalt  }
0x57: {  	_ =	shalt  }
0x58: {  	_ =	shalt  }
0x59: {  	_ =	shalt  }
0x5a: {  	_ =	shalt  }
0x5b: {  	_ =	shalt  }
0x5c: {  	_ =	shalt  }
0x5d: {  	_ =	shalt  }
0x5e: {  	_ =	shalt  }
0x5f: {  	_ =	shalt  }
0x60: {  	_ =	shalt  }
0x61: {  	_ =	shalt  }
0x62: {  	_ =	shalt  }
0x63: {  	_ =	shalt  }
0x64: {  	_ =	shalt  }
0x65: {  	_ =	shalt  }
0x66: {  	_ =	shalt  }
0x67: {  	_ =	shalt  }
0x68: {  	_ =	shalt  }
0x69: {  	_ =	shalt  }
0x6a: {  	_ =	shalt  }
0x6b: {  	_ =	shalt  }
0x6c: {  	_ =	shalt  }
0x6d: {  	_ =	shalt  }
0x6e: {  	_ =	shalt  }
0x6f: {  	_ =	shalt  }
0x70: {  	_ =	shalt  }
0x71: {  	_ =	shalt  }
0x72: {  	_ =	shalt  }
0x73: {  	_ =	shalt  }
0x74: {  	_ =	shalt  }
0x75: {  	_ =	shalt  }
0x76: {  	_ =	shalt  }
0x77: {  	_ =	shalt  }
0x78: {  	_ =	shalt  }
0x79: {  	_ =	shalt  }
0x7a: {  	_ =	shalt  }
0x7b: {  	_ =	shalt  }
0x7c: {  	_ =	shalt  }
0x7d: {  	_ =	shalt  }
0x7e: {  	_ =	shalt  }
0x7f: {  	_ =	shalt  }
0x80: {  	_ =	shalt  }
0x81: {  	_ =	shalt  }
0x82: {  	_ =	shalt  }
0x83: {  	_ =	shalt  }
0x84: {  	_ =	shalt  }
0x85: {  	_ =	shalt  }
0x86: {  	_ =	shalt  }
0x87: {  	_ =	shalt  }
.Lfunc_end0:
.L_simem_size_0:
called_computation_lowered:
.L_overlay_start_0:
0x88: {  	s2 =	sld [smem:$0x3FD9]  }
0x89: {  	s3 =	sld [smem:$0x3FFE];
	_ =	sdelay $0x1  }
0x8a: {  	s1 =	srdreg.scid  }
0x8b: {  	s0 =	sand.u32 $0x1, s1  }
0x8c: {  	s18 =	sshll.u32 s0, $0xA;
	s2 =	sadd.s32 s3, s2  }
0x8d: {  	s2 =	sadd.s32 s2, s18  }
0x8e: {  	[smem:$0x3FC3] =	sst s2  }
0x8f: {  	_ = 	snop  }
0x90: {  	s2 =	sld [smem:$0x3FC9]  }
0x91: {  	s19 =	sld [smem:$0x3FC8]  }
0x92: {  	s4 =	sld [smem:$0x3FC7]  }
0x93: {  	s5 =	sld [smem:$0x3FC6]  }
0x94: {  	s6 =	sld [smem:$0x3FC5]  }
0x95: {  	s7 =	sld [smem:$0x3FD0];
	(tm) =	ssettm $0x1  }
0x96: {  	s8 =	sld [smem:$0x3FFB];
	_ =	sdelay $0x3  }
0x97: {  	_ =	strace s8  }
0x98: {  	s8 =	sld [smem:$0x3FFC];
	_ =	sdelay $0x3  }
0x99: {  	_ =	strace s8  }
0x9a: {  	s8 =	sld [smem:$0x3FFD];
	_ =	sdelay $0x3  }
0x9b: {  	_ =	strace s8  }
0x9c: {  	_ =	strace $0x8FFFFFFF  }
0x9d: {  	s20 =	sld [smem:$0x3FDB];
	_ =	sdelay $0x1  }
0x9e: {  	s9 =	simm.s32 $_scs_section_size  }
0x9f: {  	s10 =	simm.s32 $_size__tile_overlayer_lowered;
	s11 =	simm.s32 $_tile_overlayer_lowered  }
0xa0: {  	s23 =	simm.s32 $0x1BFF;
	s22 =	sshll.u32 s11, $0x1;
	s8 =	sadd.s32 s9, s20  }
0xa1: {  	s12 =	simm.s32 $0x0;
	s21 =	sshll.u32 s10, $0x1;
	s10 =	sadd.s32 s22, s8  }
0xa2: {  	[timem:s12], [sflag:s23] =	dma.local [hbm:s10], s21  }
0xa3: {  	_ =	swait.ge [sflag:s23], s21  }
0xa4: {  	s9 =	ssub.s32 $0x0, s21;
	[sflag:s23] =	ssyncset.done $0x0  }
0xa5: {  	[sflag:s23] =	ssyncadd.s32 s9;
	_ =	sdelay $0x1  }
0xa6: {  	s24 =	simm.s32 $0x1B8B  }
0xa7: {  	_ =	swait.ge [sflag:s24], $0x1  }
0xa8: {  	[sflag:s24] =	ssyncset.done $0x0  }
0xa9: {  	s25 =	simm.s32 $0x1B8E;
	[sflag:s24] =	ssyncadd.s32 $0xFFFFFFFF  }
0xaa: {  	s26 =	simm.s32 $execute0_lowered;
	[smem:$0x3FD2] =	sst s25  }
0xab: {  	s9 =	sshll.u32 s26, $0x1;
	_ =	strace $0x80000046;
	[dreg:$0x1] =	wrdreg $0xFFFFFFFF  }
0xac: {  	s28 =	simm.s32 $_size_execute0_lowered;
	s8 =	sadd.s32 s8, s9;
	[dreg:$0x0] =	wrdreg $0x0  }
0xad: {  	s9 =	sshll.u32 s28, $0x1;
	[dreg:$0x2] =	wrdreg s8  }
0xae: {  	[dreg:$0x3] =	wrdreg s9  }
0xaf: {  	[dreg:$0x4] =	wrdreg $0xC0  }
0xb0: {  	_ =	task [dreg:s12], $0x5FFFF  }
0xb1: {  	[dreg:$0x1] =	wrdreg $0xFFFFFFFF  }
0xb2: {  	[dreg:$0x0] =	wrdreg $0x60  }
0xb3: {  	[dreg:$0x2] =	wrdreg s2  }
0xb4: {  	[dreg:$0x3] =	wrdreg s19  }
0xb5: {  	[dreg:$0x4] =	wrdreg s4  }
0xb6: {  	[dreg:$0x5] =	wrdreg s5  }
0xb7: {  	[dreg:$0x6] =	wrdreg s6  }
0xb8: {  	[dreg:$0x7] =	wrdreg s7  }
0xb9: {  	[dreg:$0x8] =	wrdreg $0x9  }
0xba: {  	_ =	task.clear_ibuf [dreg:s12], $0x9FFFF;
	_ =	strace $0x90000046  }
0xbb: {  	s29 =	simm.s32 $0x9;
	_ =	strace $0x80000048  }
0xbc: {  	_ =	swait.ge [sflag:s29], $0x1  }
0xbd: {  	[sflag:s29] =	ssyncadd.s32 $0xFFFFFFFF  }
0xbe: {  	_ =	strace $0x90000048  }
0xbf: {  	_ =	sfence  }
0xc0: {  	s30 =	sld [smem:$0x0];
	_ =	sdelay $0x2  }
0xc1: {  	s31 =	sshll.u32 s1, $0xD;
	s1 =	sshrl.u32 s1, $0x2  }
0xc2: {  	s3 =	sand.u32 $0x4000, s31;
	s1 =	sadd.s32 s1, s30  }
0xc3: {  	s0 =	sor.u32 s3, s0;
	s1 =	sshll.u32 s1, $0x11  }
0xc4: {  	s0 =	sor.u32 s1, s0  }
0xc5: {  	s0 =	sadd.s32 $0x8F2B, s0  }
0xc6: {  	[sflag:s0] =	ssyncadd.remote.s32 $0x1  }
0xc7: {  	_ =	sfence.sel $0xFFFF  }
0xc8: {  	[dreg:$0x0] =	wrdreg $0xFFFFFFFF;
	(pc) =	sbr.abs _section_cstart, $3  }
0xc9: {  	[dreg:$0x1] =	wrdreg $0xFFFFFFFF  }
0xca: {  	_ =	task.clear_ibuf [dreg:s12], $0x2FFFF;
	_ =	strace $0x9FFFFFFF  }
0xcb: {  	(tm) =	ssettm $0x7FFFFFFF  }
tec
execute0_lowered:
.L_overlay_start_1:
0x0: {  	(tag) =	ssettag $0x1  }
0x1: {  	s0 =	rddreg [dreg:$0x0]  }
0x2: {  	s2 =	rddreg [dreg:$0x1]  }
0x3: {  	s1 =	rddreg [dreg:$0x2]  }
0x4: {  	s5 =	rddreg [dreg:$0x5]  }
0x5: {  	s3 =	srdreg.scid;
	s4 =	stileid.u32;
	s6 =	simm.s32 $0x0  }
0x6: {  	s12 =	simm.s32 $0x5;
	s16 =	simm.s32 $0x1;
	s17 =	simm.s32 $0x80  }
0x7: {  	s19 =	simm.s32 $0x48;
	s3 =	sand.u32 $0x1, s3;
	s4 =	sshll.u32 s4, $0x1  }
0x8: {  	s21 =	simm.s32 $0x7D00;
	s7 =	ssub.s32 $0x2, s3;
	s3 =	sor.u32 s3, s4  }
0x9: {  	s22 =	simm.s32 $0xBD00;
	s28 =	sshrl.u32 s7, $0x1;
	s8 =	smul.u32 $0x320, s3  }
0xa: {  	s23 =	simm.s32 $0xE100;
	[smem:$0x7FF] =	sst s6;
	s4 =	ssub.s32 s7, s28  }
0xb: {  	s7 =	sshll.u32 s3, $0x5;
	s3 =	sshll.u32 s3, $0x2;
	s0 =	sadd.s32 s0, s8  }
0xc: {  	_ =	strace $0x80000047;
	s30 =	sadd.s32 s2, s3;
	[dreg:$0x7] =	wrdreg s0  }
0xd: {  	s24 =	simm.s32 $0x2;
	s31 =	smax.u32 s4, $0x1;
	[dreg:$0x8] =	wrdreg s30  }
0xe: {  	s25 =	simm.s32 $0x11300;
	s29 =	simm.s32 $0x0;
	[dreg:$0x9] =	wrdreg s31  }
.LBB2_1:
0xf: {  	s0 =	rddreg [dreg:$0x4];
	s2 =	simm.s32 $0x14500  }
0x10: {  	[tilespmem:s2], [sflag:$0x5] =	stream.linear.gather [hbm4b:s0+s6], $0x3200, $0x38;
	[tilespmem:$0x18780] =	vst v63  }
0x11: {  	_ =	swait.ge [sflag:s12], $0x3200  }
0x12: {  	[sflag:s12] =	ssyncset.done $0x0  }
0x13: {  	s15 =	rddreg [dreg:$0x7];
	[sflag:s12] =	ssyncadd.s32 $0xFFFFCE00  }
0x14: {  	[tilespmem:s6], [sflag:$0x5] =	stream.linear.gather [hbm4b:s15+s6], $0x1900, $0x38;
	[tilespmem:$0x18780] =	vst v63  }
0x15: {  	_ =	swait.ge [sflag:s12], $0x1900  }
0x16: {  	[sflag:s12] =	ssyncset.done $0x0  }
0x17: {  	s20 =	simm.s32 $0x18700;
	s18 =	rddreg [dreg:$0x8];
	[sflag:s12] =	ssyncadd.s32 $0xFFFFE700  }
0x18: {  	[tilespmem:s20], [sflag:$0x5] =	stream.linear.gather [hbm4b:s18+s6], $0x20, $0x38;
	[tilespmem:$0x18780] =	vst v63  }
0x19: {  	_ =	swait.ge [sflag:s12], $0x20  }
0x1a: {  	[sflag:s12] =	ssyncset.done $0x0  }
0x1b: {  	[sflag:s12] =	ssyncadd.s32 $0xFFFFFFE0  }
0x1c: {  	s3 =	simm.s32 $0x20;
	s4 =	simm.s32 $0x17700;
	s26 =	rddreg [dreg:$0x3]  }
0x1d: {  	[tilespmem:s4], [sflag:$0x1] =	stream.indirect.gather [hbm4b:s26+s3], $0x80, s20, s3, $0xb8;
	[tilespmem:$0x18780] =	vst v63  }
0x1e: {  	_ =	swait.ge [sflag:s16], $0x1000  }
0x1f: {  	[sflag:s16] =	ssyncset.done $0x0  }
0x20: {  	s28 =	simm.s32 $0x1900;
	[sflag:s16] =	ssyncadd.s32 $0xFFFFF000  }
0x21: {  	[tilespmem:s28], [sflag:$0x1] =	stream.indirect.gather [hbm4b:s1+s17], $0x80, s6, s17, $0xb8;
	[tilespmem:$0x18780] =	vst v63  }
0x22: {  	s31 =	simm.s32 $0x5900;
	s30 =	simm.s32 $0x0  }
0x23: {  	[tilespmem:s31], [sflag:$0x1] =	stream.indirect.gather [hbm4b:s1+s19], $0x80, s17, s19, $0xb8;
	[tilespmem:$0x18780] =	vst v63  }
.LBB2_2:
0x24: {  	s31 =	sshllo.u32 s30, $0x1  }
0x25: {  	s0 =	smul.u32 $0x320, s31;
	_ =	sdelay $0x1  }
0x26: {  	s0 =	sshra.s32 s0, $0x2  }
0x27: {  	[tilespmem:s21], [sflag:$0x2] =	stream.indirect.gather [hbm4b:s1+s17], $0x80, s0, s17, $0xb8;
	[tilespmem:$0x18780] =	vst v63  }
0x28: {  	s0 =	sadd.s32 $0x80, s0  }
0x29: {  	[tilespmem:s22], [sflag:$0x2] =	stream.indirect.gather [hbm4b:s1+s19], $0x80, s0, s19, $0xb8;
	[tilespmem:$0x18780] =	vst v63  }
0x2a: {  	_ =	swait.ge [sflag:s16], $0x4000  }
0x2b: {  	[sflag:s16] =	ssyncset.done $0x0  }
0x2c: {  	[sflag:s16] =	ssyncadd.s32 $0xFFFFC000  }
0x2d: {  	_ =	swait.ge [sflag:s16], $0x2400  }
0x2e: {  	p0 =	seq.s32 s30, $0x0;
	[sflag:s16] =	ssyncset.done $0x0  }
0x2f: {  	s0 =	simm.s32 @!p0 $0x3;
	[sflag:s16] =	ssyncadd.s32 $0xFFFFDC00  }
0x30: {  	_ =	swait.ge @!p0 [sflag:s0], $0x3200  }
0x31: {  	[sflag:s0] =	ssyncset.done @!p0 $0x0  }
0x32: {  	s8 =	simm.s32 $0x1A00;
	[sflag:s0] =	ssyncadd.s32 @!p0 $0xFFFFCE00  }
0x33: {  	s13 =	sshll.u32 s30, $0x8;
	s15 =	simm.s32 $0x14580;
	v0 =	vld [tilespmem:s8+$0x80]  }
0x34: {  	s0 =	sand.u32 $0x3FFFFF00, s13;
	v4 =	vld [tilespmem:s15+$0x40]  }
0x35: {  	v2 =	vld [tilespmem:s0+$0x17700]  }
0x36: {  	v3 =	vld [tilespmem:s0+$0x17710]  }
0x37: {  	v1 =	vld [tilespmem:s0+$0x17720]  }
0x38: {  	v5 =	vld [tilespmem:s8+$0xFFFFFF80]  }
0x39: {  	v6 =	vld [tilespmem:s15+$0xFFFFFFC0];
	v0 =	vadd.f32 v4, v0  }
0x3a: {  	v7 =	vld [tilespmem:s8+$0xFFFFFF00]  }
0x3b: {  	v4 =	vld [tilespmem:s15+$0xFFFFFF80];
	v8 =	vadd.f32 v0, v2  }
0x3c: {  	v0 =	vld [tilespmem:s0+$0x17730];
	s0 =	simm.s32 $0xE180  }
0x3d: {  	s2 =	simm.s32 $0xC0;
	[tilespmem:s0+$0x40] =	vst v8  }
0x3e: {  	s3 =	sor.u32 $0x50, s2;
	v5 =	vadd.f32 v6, v5;
	v6 =	vld [tilespmem:s8+$0x90]  }
0x3f: {  	v8 =	vld [tilespmem:s3+$0x14500]  }
0x40: {  	v4 =	vadd.f32 v4, v7  }
0x41: {  	v9 =	vld [tilespmem:s15+$0x0];
	v5 =	vadd.f32 v5, v2  }
0x42: {  	v7 =	vld [tilespmem:s8+$0x0];
	v4 =	vadd.f32 v4, v2  }
0x43: {  	s9 =	simm.s32 $0x40;
	[tilespmem:s0+$0xFFFFFFC0] =	vst v5  }
0x44: {  	s4 =	sor.u32 $0x50, s9;
	v5 =	vld [tilespmem:s8+$0xFFFFFF90];
	[tilespmem:s0+$0xFFFFFF80] =	vst v4;
	v4 =	vadd.f32 v8, v6  }
0x45: {  	v10 =	vld [tilespmem:s4+$0x14500]  }
0x46: {  	v4 =	vadd.f32 v4, v3  }
0x47: {  	v6 =	vld [tilespmem:s8+$0xFFFFFF10];
	v7 =	vadd.f32 v9, v7  }
0x48: {  	v8 =	vld [tilespmem:s15+$0xFFFFFF90];
	[tilespmem:s3+$0xE100] =	vst v4  }
0x49: {  	s10 =	sor.u32 $0x60, s2;
	v4 =	vadd.f32 v7, v2;
	v7 =	vld [tilespmem:s8+$0xA0]  }
0x4a: {  	v5 =	vadd.f32 v10, v5;
	s3 =	simm.s32 $0x1C00;
	v9 =	vld [tilespmem:s10+$0x14500]  }
0x4b: {  	v11 =	vld [tilespmem:s3+$0x80]  }
0x4c: {  	v16 =	vld [tilespmem:s3+$0x0];
	[tilespmem:s0+$0x0] =	vst v4;
	v4 =	vadd.f32 v5, v3  }
0x4d: {  	v5 =	vadd.f32 v8, v6;
	v6 =	vld [tilespmem:s8+$0x10]  }
0x4e: {  	v8 =	vld [tilespmem:s15+$0x10];
	[tilespmem:s4+$0xE100] =	vst v4  }
0x4f: {  	s13 =	sor.u32 $0x60, s9;
	v4 =	vadd.f32 v5, v3;
	v5 =	vld [tilespmem:s8+$0xFFFFFFA0]  }
0x50: {  	s4 =	simm.s32 $0x14680;
	v10 =	vld [tilespmem:s13+$0x14500]  }
0x51: {  	v12 =	vld [tilespmem:s4+$0x40]  }
0x52: {  	v14 =	vld [tilespmem:s4+$0xFFFFFF80]  }
0x53: {  	v15 =	vld [tilespmem:s4+$0xFFFFFFC0];
	[tilespmem:s0+$0xFFFFFF90] =	vst v4;
	v4 =	vadd.f32 v9, v7  }
0x54: {  	v7 =	vld [tilespmem:s8+$0xFFFFFF20]  }
0x55: {  	v9 =	vld [tilespmem:s15+$0xFFFFFFA0];
	v4 =	vadd.f32 v4, v1  }
0x56: {  	v54 =	vld [tilespmem:s4+$0x0];
	v6 =	vadd.f32 v8, v6  }
0x57: {  	v8 =	vld [tilespmem:s3+$0xFFFFFF80];
	[tilespmem:s10+$0xE100] =	vst v4  }
0x58: {  	s18 =	sor.u32 $0x70, s2;
	v6 =	vadd.f32 v6, v3;
	v11 =	vadd.f32 v12, v11;
	v4 =	vld [tilespmem:s8+$0xB0]  }
0x59: {  	v13 =	vld [tilespmem:s18+$0x14500]  }
0x5a: {  	[tilespmem:s0+$0x10] =	vst v6;
	v6 =	vadd.f32 v9, v7;
	v7 =	vld [tilespmem:s3+$0xFFFFFF00];
	v9 =	vadd.f32 v11, v2  }
0x5b: {  	s2 =	simm.s32 $0xE280;
	v11 =	vld [tilespmem:s8+$0x20]  }
0x5c: {  	s11 =	simm.s32 $0x1C0;
	v8 =	vadd.f32 v15, v8;
	v6 =	vadd.f32 v6, v1;
	[tilespmem:s2+$0x40] =	vst v9;
	v9 =	vld [tilespmem:s15+$0x20]  }
0x5d: {  	s14 =	sor.u32 $0x50, s11;
	v55 =	vld [tilespmem:s3+$0x90]  }
0x5e: {  	v56 =	vld [tilespmem:s14+$0x14500];
	[tilespmem:s0+$0xFFFFFFA0] =	vst v6;
	v6 =	vadd.f32 v8, v2;
	v8 =	vadd.f32 v54, v16  }
0x5f: {  	v7 =	vadd.f32 v14, v7;
	v57 =	vld [tilespmem:s8+$0xFFFFFF30]  }
0x60: {  	s26 =	simm.s32 $0x140;
	[tilespmem:s2+$0xFFFFFFC0] =	vst v6;
	v6 =	vadd.f32 v8, v2;
	v8 =	vld [tilespmem:s15+$0xFFFFFFB0]  }
0x61: {  	s20 =	sor.u32 $0x50, s26;
	v7 =	vadd.f32 v7, v2;
	v58 =	vld [tilespmem:s3+$0xFFFFFF90]  }
0x62: {  	v5 =	vadd.f32 v10, v5;
	v10 =	vld [tilespmem:s20+$0x14500];
	[tilespmem:s2+$0x0] =	vst v6  }
0x63: {  	[tilespmem:s2+$0xFFFFFF80] =	vst v7;
	v6 =	vld [tilespmem:s3+$0x10];
	v7 =	vadd.f32 v56, v55  }
0x64: {  	v5 =	vadd.f32 v5, v1;
	v59 =	vld [tilespmem:s3+$0xFFFFFF10]  }
0x65: {  	v60 =	vld [tilespmem:s4+$0xFFFFFF90];
	v7 =	vadd.f32 v7, v3  }
0x66: {  	[tilespmem:s13+$0xE100] =	vst v5;
	v5 =	vadd.f32 v9, v11;
	v9 =	vld [tilespmem:s4+$0x10]  }
0x67: {  	v11 =	vld [tilespmem:s8+$0xFFFFFFB0];
	v10 =	vadd.f32 v10, v58;
	[tilespmem:s14+$0xE100] =	vst v7  }
0x68: {  	s10 =	sor.u32 $0x60, s11;
	v4 =	vadd.f32 v13, v4;
	v5 =	vadd.f32 v5, v1;
	v61 =	vld [tilespmem:s3+$0xA0]  }
0x69: {  	v8 =	vadd.f32 v8, v57;
	s14 =	sor.u32 $0x70, s9;
	v7 =	vadd.f32 v10, v3;
	v10 =	vld [tilespmem:s10+$0x14500]  }
0x6a: {  	v13 =	vadd.f32 v4, v0;
	[tilespmem:s0+$0x20] =	vst v5;
	v62 =	vld [tilespmem:s14+$0x14500];
	v5 =	vadd.f32 v60, v59  }
0x6b: {  	v4 =	vld [tilespmem:s8+$0x30];
	v8 =	vadd.f32 v8, v0;
	v9 =	vadd.f32 v9, v6;
	[tilespmem:s20+$0xE100] =	vst v7  }
0x6c: {  	s13 =	sor.u32 $0x60, s26;
	[tilespmem:s18+$0xE100] =	vst v13;
	v5 =	vadd.f32 v5, v3;
	v6 =	vld [tilespmem:s3+$0xFFFFFFA0]  }
0x6d: {  	[tilespmem:s0+$0xFFFFFFB0] =	vst v8;
	v9 =	vadd.f32 v9, v3;
	v7 =	vld [tilespmem:s13+$0x14500]  }
0x6e: {  	[tilespmem:s2+$0xFFFFFF90] =	vst v5;
	v63 =	vadd.f32 v10, v61;
	v5 =	vld [tilespmem:s15+$0x30]  }
0x6f: {  	s28 =	sshll.u32 s30, $0x1;
	s18 =	simm.s32 $0x14680;
	s8 =	simm.s32 $0x1E00;
	[tilespmem:s2+$0x10] =	vst v9;
	v9 =	vadd.f32 v62, v11;
	v8 =	vld [tilespmem:s3+$0xFFFFFF20]  }
0x70: {  	s9 =	sor.u32 $0x70, s26;
	s20 =	simm.s32 $0x4;
	s15 =	sadd.s32 s7, s28;
	v10 =	vld [tilespmem:s4+$0xFFFFFFA0];
	v11 =	vadd.f32 v63, v1  }
.LBB2_3:
0x71: {  	v12 =	vld [tilespmem:s8+$0x80];
	s4 =	sadd.s32 $0x100, s4;
	v9 =	vadd.f32 v9, v0  }
0x72: {  	v13 =	vld [tilespmem:s4+$0x40];
	v6 =	vadd.f32 v7, v6;
	[tilespmem:s10+$0xE100] =	vst v11  }
0x73: {  	s10 =	sor.u32 $0x70, s11;
	v7 =	vld [tilespmem:s3+$0xB0];
	[tilespmem:s14+$0xE100] =	vst v9;
	v4 =	vadd.f32 v5, v4;
	s14 =	smov.u32 s9  }
0x74: {  	v5 =	vadd.f32 v6, v1;
	v6 =	vld [tilespmem:s10+$0x14500]  }
0x75: {  	v9 =	vld [tilespmem:s4+$0xFFFFFF80];
	v8 =	vadd.f32 v10, v8;
	v4 =	vadd.f32 v4, v0  }
0x76: {  	s20 =	sadd.s32 $0x4, s20;
	v10 =	vld [tilespmem:s8+$0xFFFFFF80];
	[tilespmem:s13+$0xE100] =	vst v5  }
0x77: {  	p1 =	slt.u32 s20, $0xC4;
	v5 =	vld [tilespmem:s4+$0xFFFFFFC0];
	v8 =	vadd.f32 v8, v1;
	[tilespmem:s0+$0x30] =	vst v4;
	s0 =	smov.u32 s2  }
0x78: {  	v11 =	vadd.f32 v13, v12;
	v4 =	vld [tilespmem:s8+$0x0]  }
0x79: {  	v12 =	vld [tilespmem:s4+$0x0];
	[tilespmem:s2+$0xFFFFFFA0] =	vst v8;
	v6 =	vadd.f32 v6, v7  }
0x7a: {  	v8 =	vadd.f32 v11, v2;
	v7 =	vld [tilespmem:s8+$0xFFFFFF00]  }
0x7b: {  	s2 =	sadd.s32 $0x100, s2;
	v11 =	vld [tilespmem:s3+$0x20];
	v6 =	vadd.f32 v6, v0  }
0x7c: {  	s11 =	sadd.s32 $0x100, s11;
	v5 =	vadd.f32 v5, v10;
	[tilespmem:s2+$0x40] =	vst v8;
	v8 =	vld [tilespmem:s18+$0x20]  }
0x7d: {  	s9 =	sadd.s32 $0xFFFFFF80, s11;
	s26 =	sor.u32 $0x50, s11;
	v10 =	vld [tilespmem:s8+$0x90];
	[tilespmem:s10+$0xE100] =	vst v6  }
0x7e: {  	s28 =	sor.u32 $0x50, s9;
	s13 =	sor.u32 $0x60, s9;
	s9 =	sor.u32 $0x70, s9;
	v5 =	vadd.f32 v5, v2;
	v4 =	vadd.f32 v12, v4;
	v6 =	vld [tilespmem:s26+$0x14500]  }
0x7f: {  	v7 =	vadd.f32 v9, v7;
	v9 =	vld [tilespmem:s3+$0xFFFFFF30]  }
0x80: {  	[tilespmem:s2+$0xFFFFFFC0] =	vst v5;
	v4 =	vadd.f32 v4, v2;
	v5 =	vld [tilespmem:s18+$0xFFFFFFB0]  }
0x81: {  	v7 =	vadd.f32 v7, v2;
	v12 =	vld [tilespmem:s8+$0xFFFFFF90];
	v8 =	vadd.f32 v8, v11  }
0x82: {  	v11 =	vld [tilespmem:s28+$0x14500];
	[tilespmem:s2+$0x0] =	vst v4  }
0x83: {  	[tilespmem:s2+$0xFFFFFF80] =	vst v7;
	v4 =	vld [tilespmem:s8+$0x10];
	v6 =	vadd.f32 v6, v10;
	v7 =	vadd.f32 v8, v1  }
0x84: {  	v8 =	vld [tilespmem:s8+$0xFFFFFF10]  }
0x85: {  	v10 =	vld [tilespmem:s4+$0xFFFFFF90];
	v6 =	vadd.f32 v6, v3;
	v5 =	vadd.f32 v5, v9;
	[tilespmem:s0+$0x20] =	vst v7  }
0x86: {  	v7 =	vld [tilespmem:s4+$0x10]  }
0x87: {  	v9 =	vadd.f32 v11, v12;
	[tilespmem:s26+$0xE100] =	vst v6;
	v5 =	vadd.f32 v5, v0;
	v11 =	vld [tilespmem:s3+$0xFFFFFFB0]  }
0x88: {  	s10 =	sor.u32 $0x60, s11;
	v12 =	vld [tilespmem:s8+$0xA0]  }
0x89: {  	v6 =	vadd.f32 v9, v3;
	v9 =	vld [tilespmem:s10+$0x14500];
	[tilespmem:s0+$0xFFFFFFB0] =	vst v5  }
0x8a: {  	v5 =	vadd.f32 v10, v8;
	v10 =	vld [tilespmem:s14+$0x14500]  }
0x8b: {  	[tilespmem:s28+$0xE100] =	vst v6;
	v8 =	vadd.f32 v7, v4;
	v4 =	vld [tilespmem:s3+$0x30];
	s3 =	smov.u32 s8  }
.Ltmp0:
0x8c: {  	v5 =	vadd.f32 v5, v3;
	v6 =	vld [tilespmem:s8+$0xFFFFFFA0];
	(pc) =	sbr.rel @p1 .LBB2_3-.Ltmp0, $4  }
0x8d: {  	v7 =	vld [tilespmem:s13+$0x14500];
	v13 =	vadd.f32 v8, v3  }
0x8e: {  	[tilespmem:s2+$0xFFFFFF90] =	vst v5;
	v12 =	vadd.f32 v9, v12;
	v5 =	vld [tilespmem:s18+$0x30];
	s18 =	smov.u32 s4  }
0x8f: {  	v8 =	vld [tilespmem:s8+$0xFFFFFF20];
	[tilespmem:s2+$0x10] =	vst v13;
	v9 =	vadd.f32 v10, v11  }
0x90: {  	s8 =	sadd.s32 $0x200, s8;
	v10 =	vld [tilespmem:s4+$0xFFFFFFA0];
	v11 =	vadd.f32 v12, v1  }
0x91: {  	v2 =	vld [tilespmem:s3+$0x20]  }
0x92: {  	v3 =	vld [tilespmem:s18+$0x20];
	_ =	sdelay $0x1  }
0x93: {  	v6 =	vadd.f32 v7, v6  }
0x94: {  	v8 =	vadd.f32 v10, v8  }
0x95: {  	s4 =	sor.u32 $0x70, s11;
	[tilespmem:s10+$0xE100] =	vst v11;
	v6 =	vadd.f32 v6, v1  }
0x96: {  	v10 =	vld [tilespmem:s4+$0x14500];
	v2 =	vadd.f32 v3, v2;
	v7 =	vadd.f32 v8, v1  }
0x97: {  	[tilespmem:s13+$0xE100] =	vst v6;
	v8 =	vld [tilespmem:s3+$0xB0]  }
0x98: {  	v1 =	vadd.f32 v2, v1;
	v2 =	vld [tilespmem:s3+$0xFFFFFFB0];
	[tilespmem:s2+$0xFFFFFFA0] =	vst v7  }
0x99: {  	v3 =	vld [tilespmem:s3+$0xFFFFFF30]  }
0x9a: {  	v6 =	vld [tilespmem:s18+$0xFFFFFFB0]  }
0x9b: {  	[tilespmem:s2+$0x20] =	vst v1;
	v1 =	vld [tilespmem:s9+$0x14500]  }
0x9c: {  	v7 =	vld [tilespmem:s3+$0x30]  }
0x9d: {  	v11 =	vld [tilespmem:s18+$0x30]  }
0x9e: {  	v4 =	vadd.f32 v5, v4  }
0x9f: {  	v5 =	vadd.f32 v9, v0;
	v8 =	vadd.f32 v10, v8  }
0xa0: {  	v4 =	vadd.f32 v4, v0;
	v3 =	vadd.f32 v6, v3  }
0xa1: {  	[tilespmem:s14+$0xE100] =	vst v5;
	v5 =	vadd.f32 v8, v0;
	v1 =	vadd.f32 v1, v2  }
0xa2: {  	[tilespmem:s0+$0x30] =	vst v4;
	v2 =	vadd.f32 v3, v0;
	v3 =	vadd.f32 v11, v7  }
0xa3: {  	[tilespmem:s4+$0xE100] =	vst v5;
	v1 =	vadd.f32 v1, v0  }
0xa4: {  	s20 =	smul.u32 $0x640, s15;
	[tilespmem:s2+$0xFFFFFFB0] =	vst v2;
	v0 =	vadd.f32 v3, v0  }
0xa5: {  	p1 =	seq.s32 s30, $0xF;
	[tilespmem:s9+$0xE100] =	vst v1  }
0xa6: {  	s0 =	sadd.s32 s5, s20;
	[tilespmem:s2+$0x30] =	vst v0;
	s2 =	smul.u32 @!p1 $0x640, s30  }
0xa7: {  	[hbm4b:s0+s6] =	stream.linear.scatter [tilespmem:s23], [sflag:$0x3], $0x3200, $0x38;
	[tilespmem:$0x18780] =	vst v63  }
0xa8: {  	s0 =	sshra.s32 @!p1 s2, $0x2  }
0xa9: {  	s3 =	simm.s32 @!p1 $0x80;
	s4 =	simm.s32 @!p1 $0x1900;
	s2 =	sadd.s32 @!p1 $0x190, s0  }
0xaa: {  	[tilespmem:s4], [sflag:$0x1] =	stream.indirect.gather @!p1 [hbm4b:s1+s3], $0x80, s2, s3, $0xb8;
	[tilespmem:$0x18780] =	vst v63  }
0xab: {  	s0 =	sadd.s32 @!p1 $0x210, s0;
	s2 =	simm.s32 @!p1 $0x48;
	s3 =	simm.s32 @!p1 $0x5900  }
0xac: {  	[tilespmem:s3], [sflag:$0x1] =	stream.indirect.gather @!p1 [hbm4b:s1+s2], $0x80, s0, s2, $0xb8;
	[tilespmem:$0x18780] =	vst v63  }
0xad: {  	_ =	swait.ge [sflag:s24], $0x4000  }
0xae: {  	[sflag:s24] =	ssyncset.done $0x0  }
0xaf: {  	[sflag:s24] =	ssyncadd.s32 $0xFFFFC000  }
0xb0: {  	_ =	swait.ge [sflag:s24], $0x2400  }
0xb1: {  	[sflag:s24] =	ssyncset.done $0x0  }
0xb2: {  	s0 =	simm.s32 @!p0 $0x4;
	[sflag:s24] =	ssyncadd.s32 $0xFFFFDC00  }
0xb3: {  	_ =	swait.ge @!p0 [sflag:s0], $0x3200  }
0xb4: {  	[sflag:s0] =	ssyncset.done @!p0 $0x0  }
0xb5: {  	s8 =	simm.s32 $0x7E00;
	[sflag:s0] =	ssyncadd.s32 @!p0 $0xFFFFCE00  }
0xb6: {  	s26 =	sshll.u32 s31, $0x7;
	s15 =	simm.s32 $0x14580;
	v0 =	vld [tilespmem:s8+$0x80]  }
0xb7: {  	s0 =	sand.u32 $0x3FFFFF80, s26;
	v4 =	vld [tilespmem:s15+$0x40]  }
0xb8: {  	v2 =	vld [tilespmem:s0+$0x17700]  }
0xb9: {  	v3 =	vld [tilespmem:s0+$0x17710]  }
0xba: {  	v1 =	vld [tilespmem:s0+$0x17720]  }
0xbb: {  	v5 =	vld [tilespmem:s8+$0xFFFFFF80]  }
0xbc: {  	v6 =	vld [tilespmem:s15+$0xFFFFFFC0];
	v0 =	vadd.f32 v4, v0  }
0xbd: {  	v7 =	vld [tilespmem:s8+$0xFFFFFF00]  }
0xbe: {  	v4 =	vld [tilespmem:s15+$0xFFFFFF80];
	v8 =	vadd.f32 v0, v2  }
0xbf: {  	v0 =	vld [tilespmem:s0+$0x17730];
	s0 =	simm.s32 $0x11380  }
0xc0: {  	s28 =	simm.s32 $0xC0;
	v9 =	vld [tilespmem:s15+$0x0];
	[tilespmem:s0+$0x40] =	vst v8  }
0xc1: {  	s10 =	sor.u32 $0x50, s28;
	v5 =	vadd.f32 v6, v5;
	v6 =	vld [tilespmem:s8+$0x90]  }
0xc2: {  	s2 =	simm.s32 $0x8000;
	v8 =	vld [tilespmem:s10+$0x14500]  }
0xc3: {  	s4 =	simm.s32 $0x14680;
	v11 =	vld [tilespmem:s2+$0x80];
	v5 =	vadd.f32 v5, v2;
	v4 =	vadd.f32 v4, v7  }
0xc4: {  	v12 =	vld [tilespmem:s4+$0x40]  }
0xc5: {  	s9 =	simm.s32 $0x40;
	[tilespmem:s0+$0xFFFFFFC0] =	vst v5;
	v7 =	vld [tilespmem:s8+$0x0];
	v4 =	vadd.f32 v4, v2  }
0xc6: {  	s11 =	sor.u32 $0x50, s9;
	v5 =	vld [tilespmem:s8+$0xFFFFFF90]  }
0xc7: {  	v10 =	vld [tilespmem:s11+$0x14500];
	[tilespmem:s0+$0xFFFFFF80] =	vst v4;
	v4 =	vadd.f32 v8, v6  }
0xc8: {  	v6 =	vld [tilespmem:s8+$0xFFFFFF10]  }
0xc9: {  	v8 =	vld [tilespmem:s15+$0xFFFFFF90];
	v4 =	vadd.f32 v4, v3  }
0xca: {  	v14 =	vld [tilespmem:s4+$0xFFFFFF80];
	v7 =	vadd.f32 v9, v7  }
0xcb: {  	v15 =	vld [tilespmem:s4+$0xFFFFFFC0];
	[tilespmem:s10+$0x11300] =	vst v4  }
0xcc: {  	s13 =	sor.u32 $0x60, s28;
	v5 =	vadd.f32 v10, v5;
	v4 =	vadd.f32 v7, v2;
	v7 =	vld [tilespmem:s8+$0xA0]  }
0xcd: {  	v9 =	vld [tilespmem:s13+$0x14500]  }
0xce: {  	v16 =	vld [tilespmem:s2+$0x0];
	[tilespmem:s0+$0x0] =	vst v4;
	v4 =	vadd.f32 v5, v3;
	v5 =	vadd.f32 v8, v6  }
0xcf: {  	v6 =	vld [tilespmem:s8+$0x10]  }
0xd0: {  	v8 =	vld [tilespmem:s15+$0x10];
	[tilespmem:s11+$0x11300] =	vst v4;
	v4 =	vadd.f32 v5, v3  }
0xd1: {  	s14 =	sor.u32 $0x60, s9;
	v5 =	vld [tilespmem:s8+$0xFFFFFFA0]  }
0xd2: {  	v10 =	vld [tilespmem:s14+$0x14500];
	[tilespmem:s0+$0xFFFFFF90] =	vst v4;
	v4 =	vadd.f32 v9, v7  }
0xd3: {  	v7 =	vld [tilespmem:s8+$0xFFFFFF20]  }
0xd4: {  	v9 =	vld [tilespmem:s15+$0xFFFFFFA0];
	v4 =	vadd.f32 v4, v1  }
0xd5: {  	v53 =	vld [tilespmem:s4+$0x0];
	v6 =	vadd.f32 v8, v6  }
0xd6: {  	v8 =	vld [tilespmem:s2+$0xFFFFFF80];
	[tilespmem:s13+$0x11300] =	vst v4  }
0xd7: {  	s18 =	sor.u32 $0x70, s28;
	v11 =	vadd.f32 v12, v11;
	v6 =	vadd.f32 v6, v3;
	v4 =	vld [tilespmem:s8+$0xB0]  }
0xd8: {  	v5 =	vadd.f32 v10, v5;
	v13 =	vld [tilespmem:s18+$0x14500]  }
0xd9: {  	[tilespmem:s0+$0x10] =	vst v6;
	v6 =	vadd.f32 v9, v7;
	v7 =	vld [tilespmem:s2+$0xFFFFFF00];
	v9 =	vadd.f32 v11, v2  }
0xda: {  	s3 =	simm.s32 $0x11480;
	v5 =	vadd.f32 v5, v1;
	v11 =	vld [tilespmem:s8+$0x20]  }
0xdb: {  	s11 =	simm.s32 $0x1C0;
	v8 =	vadd.f32 v15, v8;
	v6 =	vadd.f32 v6, v1;
	[tilespmem:s3+$0x40] =	vst v9;
	v9 =	vld [tilespmem:s15+$0x20]  }
0xdc: {  	s28 =	sor.u32 $0x50, s11;
	[tilespmem:s14+$0x11300] =	vst v5;
	v54 =	vld [tilespmem:s2+$0x90]  }
0xdd: {  	s14 =	sor.u32 $0x70, s9;
	v55 =	vld [tilespmem:s28+$0x14500];
	[tilespmem:s0+$0xFFFFFFA0] =	vst v6;
	v6 =	vadd.f32 v8, v2  }
0xde: {  	v61 =	vld [tilespmem:s14+$0x14500];
	v7 =	vadd.f32 v14, v7  }
0xdf: {  	s26 =	simm.s32 $0x140;
	v56 =	vld [tilespmem:s8+$0xFFFFFF30];
	[tilespmem:s3+$0xFFFFFFC0] =	vst v6  }
0xe0: {  	s20 =	sor.u32 $0x50, s26;
	v8 =	vadd.f32 v53, v16;
	v7 =	vadd.f32 v7, v2;
	v57 =	vld [tilespmem:s2+$0xFFFFFF90]  }
0xe1: {  	v10 =	vld [tilespmem:s20+$0x14500]  }
0xe2: {  	v6 =	vadd.f32 v8, v2;
	v8 =	vld [tilespmem:s15+$0xFFFFFFB0];
	[tilespmem:s3+$0xFFFFFF80] =	vst v7;
	v7 =	vadd.f32 v55, v54  }
0xe3: {  	v58 =	vld [tilespmem:s2+$0xFFFFFF10]  }
0xe4: {  	[tilespmem:s3+$0x0] =	vst v6;
	v59 =	vld [tilespmem:s4+$0xFFFFFF90];
	v7 =	vadd.f32 v7, v3  }
0xe5: {  	v5 =	vadd.f32 v9, v11;
	v6 =	vld [tilespmem:s2+$0x10]  }
0xe6: {  	v9 =	vld [tilespmem:s4+$0x10];
	v10 =	vadd.f32 v10, v57;
	[tilespmem:s28+$0x11300] =	vst v7  }
0xe7: {  	s10 =	sor.u32 $0x60, s11;
	v5 =	vadd.f32 v5, v1;
	v60 =	vld [tilespmem:s2+$0xA0]  }
0xe8: {  	v4 =	vadd.f32 v13, v4;
	v7 =	vadd.f32 v10, v3;
	v10 =	vld [tilespmem:s10+$0x14500]  }
0xe9: {  	v11 =	vld [tilespmem:s8+$0xFFFFFFB0];
	[tilespmem:s0+$0x20] =	vst v5;
	v5 =	vadd.f32 v59, v58  }
0xea: {  	v13 =	vadd.f32 v4, v0;
	v8 =	vadd.f32 v8, v56;
	v4 =	vld [tilespmem:s8+$0x30];
	[tilespmem:s20+$0x11300] =	vst v7  }
0xeb: {  	s13 =	sor.u32 $0x60, s26;
	v9 =	vadd.f32 v9, v6;
	v5 =	vadd.f32 v5, v3;
	v6 =	vld [tilespmem:s2+$0xFFFFFFA0]  }
0xec: {  	[tilespmem:s18+$0x11300] =	vst v13;
	v8 =	vadd.f32 v8, v0;
	v7 =	vld [tilespmem:s13+$0x14500]  }
0xed: {  	v62 =	vadd.f32 v9, v3;
	[tilespmem:s3+$0xFFFFFF90] =	vst v5;
	v63 =	vadd.f32 v10, v60;
	v5 =	vld [tilespmem:s15+$0x30]  }
0xee: {  	s9 =	sor.u32 $0x70, s26;
	s18 =	simm.s32 $0x14680;
	[tilespmem:s0+$0xFFFFFFB0] =	vst v8;
	v8 =	vadd.f32 v61, v11;
	v9 =	vld [tilespmem:s2+$0xFFFFFF20]  }
0xef: {  	s8 =	simm.s32 $0x8200;
	s20 =	simm.s32 $0x4;
	[tilespmem:s3+$0x10] =	vst v62;
	s15 =	sadd.s32 s7, s31;
	v10 =	vld [tilespmem:s4+$0xFFFFFFA0];
	v11 =	vadd.f32 v63, v1  }
.LBB2_5:
0xf0: {  	v12 =	vld [tilespmem:s8+$0x80];
	s4 =	sadd.s32 $0x100, s4;
	v8 =	vadd.f32 v8, v0  }
0xf1: {  	v13 =	vld [tilespmem:s4+$0x40];
	v6 =	vadd.f32 v7, v6;
	[tilespmem:s10+$0x11300] =	vst v11  }
0xf2: {  	s10 =	sor.u32 $0x70, s11;
	v7 =	vld [tilespmem:s2+$0xB0];
	[tilespmem:s14+$0x11300] =	vst v8;
	v4 =	vadd.f32 v5, v4;
	s14 =	smov.u32 s9  }
0xf3: {  	v5 =	vadd.f32 v6, v1;
	v6 =	vld [tilespmem:s10+$0x14500]  }
0xf4: {  	v8 =	vld [tilespmem:s4+$0xFFFFFF80];
	v9 =	vadd.f32 v10, v9;
	v4 =	vadd.f32 v4, v0  }
0xf5: {  	s20 =	sadd.s32 $0x4, s20;
	v10 =	vld [tilespmem:s8+$0xFFFFFF80];
	[tilespmem:s13+$0x11300] =	vst v5  }
0xf6: {  	p0 =	slt.u32 s20, $0xC4;
	v5 =	vld [tilespmem:s4+$0xFFFFFFC0];
	v9 =	vadd.f32 v9, v1;
	[tilespmem:s0+$0x30] =	vst v4;
	s0 =	smov.u32 s3  }
0xf7: {  	v11 =	vadd.f32 v13, v12;
	v4 =	vld [tilespmem:s8+$0x0]  }
0xf8: {  	v12 =	vld [tilespmem:s4+$0x0];
	[tilespmem:s3+$0xFFFFFFA0] =	vst v9;
	v6 =	vadd.f32 v6, v7  }
0xf9: {  	v9 =	vadd.f32 v11, v2;
	v7 =	vld [tilespmem:s8+$0xFFFFFF00]  }
0xfa: {  	s3 =	sadd.s32 $0x100, s3;
	v11 =	vld [tilespmem:s2+$0x20];
	v6 =	vadd.f32 v6, v0  }
0xfb: {  	s11 =	sadd.s32 $0x100, s11;
	v5 =	vadd.f32 v5, v10;
	[tilespmem:s3+$0x40] =	vst v9;
	v9 =	vld [tilespmem:s18+$0x20]  }
0xfc: {  	s9 =	sadd.s32 $0xFFFFFF80, s11;
	s26 =	sor.u32 $0x50, s11;
	v10 =	vld [tilespmem:s8+$0x90];
	[tilespmem:s10+$0x11300] =	vst v6  }
0xfd: {  	s28 =	sor.u32 $0x50, s9;
	s13 =	sor.u32 $0x60, s9;
	s9 =	sor.u32 $0x70, s9;
	v5 =	vadd.f32 v5, v2;
	v4 =	vadd.f32 v12, v4;
	v6 =	vld [tilespmem:s26+$0x14500]  }
0xfe: {  	v7 =	vadd.f32 v8, v7;
	v8 =	vld [tilespmem:s2+$0xFFFFFF30]  }
0xff: {  	[tilespmem:s3+$0xFFFFFFC0] =	vst v5;
	v4 =	vadd.f32 v4, v2;
	v5 =	vld [tilespmem:s18+$0xFFFFFFB0]  }
0x100: {  	v7 =	vadd.f32 v7, v2;
	v12 =	vld [tilespmem:s8+$0xFFFFFF90];
	v9 =	vadd.f32 v9, v11  }
0x101: {  	v11 =	vld [tilespmem:s28+$0x14500];
	[tilespmem:s3+$0x0] =	vst v4  }
0x102: {  	[tilespmem:s3+$0xFFFFFF80] =	vst v7;
	v4 =	vld [tilespmem:s8+$0x10];
	v6 =	vadd.f32 v6, v10;
	v7 =	vadd.f32 v9, v1  }
0x103: {  	v9 =	vld [tilespmem:s8+$0xFFFFFF10]  }
0x104: {  	v10 =	vld [tilespmem:s4+$0xFFFFFF90];
	v6 =	vadd.f32 v6, v3;
	v5 =	vadd.f32 v5, v8;
	[tilespmem:s0+$0x20] =	vst v7  }
0x105: {  	v7 =	vld [tilespmem:s4+$0x10]  }
0x106: {  	v8 =	vadd.f32 v11, v12;
	[tilespmem:s26+$0x11300] =	vst v6;
	v5 =	vadd.f32 v5, v0;
	v11 =	vld [tilespmem:s2+$0xFFFFFFB0]  }
0x107: {  	s10 =	sor.u32 $0x60, s11;
	v12 =	vld [tilespmem:s8+$0xA0]  }
0x108: {  	v6 =	vadd.f32 v8, v3;
	v8 =	vld [tilespmem:s10+$0x14500];
	[tilespmem:s0+$0xFFFFFFB0] =	vst v5  }
0x109: {  	v5 =	vadd.f32 v10, v9;
	v10 =	vld [tilespmem:s14+$0x14500]  }
0x10a: {  	[tilespmem:s28+$0x11300] =	vst v6;
	v9 =	vadd.f32 v7, v4;
	v4 =	vld [tilespmem:s2+$0x30];
	s2 =	smov.u32 s8  }
.Ltmp1:
0x10b: {  	v5 =	vadd.f32 v5, v3;
	v6 =	vld [tilespmem:s8+$0xFFFFFFA0];
	(pc) =	sbr.rel @p0 .LBB2_5-.Ltmp1, $4  }
0x10c: {  	v7 =	vld [tilespmem:s13+$0x14500];
	v13 =	vadd.f32 v9, v3  }
0x10d: {  	[tilespmem:s3+$0xFFFFFF90] =	vst v5;
	v12 =	vadd.f32 v8, v12;
	v5 =	vld [tilespmem:s18+$0x30];
	s18 =	smov.u32 s4  }
0x10e: {  	v9 =	vld [tilespmem:s8+$0xFFFFFF20];
	[tilespmem:s3+$0x10] =	vst v13;
	v8 =	vadd.f32 v10, v11  }
0x10f: {  	s8 =	sadd.s32 $0x200, s8;
	v10 =	vld [tilespmem:s4+$0xFFFFFFA0];
	v11 =	vadd.f32 v12, v1  }
0x110: {  	v2 =	vld [tilespmem:s2+$0x20]  }
0x111: {  	v3 =	vld [tilespmem:s18+$0x20]  }
0x112: {  	v6 =	vadd.f32 v7, v6;
	_ =	sdelay $0x1  }
0x113: {  	[tilespmem:s10+$0x11300] =	vst v11;
	v6 =	vadd.f32 v6, v1;
	v9 =	vadd.f32 v10, v9  }
0x114: {  	s4 =	sor.u32 $0x70, s11;
	v51 =	vld [tilespmem:s2+$0xB0]  }
0x115: {  	v52 =	vld [tilespmem:s4+$0x14500];
	v2 =	vadd.f32 v3, v2;
	[tilespmem:s13+$0x11300] =	vst v6;
	v50 =	vadd.f32 v9, v1  }
0x116: {  	v56 =	vld [tilespmem:s2+$0xFFFFFFB0]  }
0x117: {  	v57 =	vld [tilespmem:s9+$0x14500];
	v55 =	vadd.f32 v2, v1;
	[tilespmem:s3+$0xFFFFFFA0] =	vst v50  }
0x118: {  	v53 =	vld [tilespmem:s2+$0xFFFFFF30]  }
0x119: {  	v54 =	vld [tilespmem:s18+$0xFFFFFFB0];
	[tilespmem:s3+$0x20] =	vst v55  }
0x11a: {  	v58 =	vld [tilespmem:s2+$0x30]  }
0x11b: {  	v59 =	vld [tilespmem:s18+$0x30]  }
0x11c: {  	v4 =	vadd.f32 v5, v4  }
0x11d: {  	v8 =	vadd.f32 v8, v0;
	v60 =	vadd.f32 v52, v51  }
0x11e: {  	v4 =	vadd.f32 v4, v0;
	v1 =	vadd.f32 v57, v56  }
0x11f: {  	s30 =	sadd.s32 $0x1, s30;
	[tilespmem:s14+$0x11300] =	vst v8;
	v5 =	vadd.f32 v60, v0;
	v3 =	vadd.f32 v54, v53  }
0x120: {  	p0 =	sne.s32 s30, $0x10;
	[tilespmem:s0+$0x30] =	vst v4;
	v1 =	vadd.f32 v1, v0;
	v62 =	vadd.f32 v59, v58  }
.Ltmp2:
0x121: {  	[tilespmem:s4+$0x11300] =	vst v5;
	v61 =	vadd.f32 v3, v0;
	(pc) =	sbr.rel @p0 .LBB2_2-.Ltmp2, $4  }
0x122: {  	s31 =	smul.u32 $0x640, s15;
	[tilespmem:s9+$0x11300] =	vst v1;
	v63 =	vadd.f32 v62, v0  }
0x123: {  	[tilespmem:s3+$0xFFFFFFB0] =	vst v61  }
0x124: {  	s0 =	sadd.s32 s5, s31;
	[tilespmem:s3+$0x30] =	vst v63  }
0x125: {  	[hbm4b:s0+s6] =	stream.linear.scatter [tilespmem:s25], [sflag:$0x4], $0x3200, $0x38;
	[tilespmem:$0x18780] =	vst v63  }
0x126: {  	s0 =	simm.s32 $0x3  }
0x127: {  	_ =	swait.ge [sflag:s0], $0x3200  }
0x128: {  	[sflag:s0] =	ssyncset.done $0x0  }
0x129: {  	s2 =	simm.s32 $0x4;
	[sflag:s0] =	ssyncadd.s32 $0xFFFFCE00  }
0x12a: {  	_ =	swait.ge [sflag:s2], $0x3200  }
0x12b: {  	s29 =	sadd.s32 $0x1, s29;
	s31 =	rddreg [dreg:$0x9]  }
0x12c: {  	p0 =	sne.s32 s29, s31  }
.Ltmp3:
0x12d: {  	_ = 	snop;
	(pc) =	sbr.rel @p0 .LBB2_1-.Ltmp3, $3  }
0x12e: {  	_ =	sdelay $0x1  }
0x12f: {  	[sflag:s2] =	ssyncset.done $0x0  }
0x130: {  	[sflag:s2] =	ssyncadd.s32 $0xFFFFCE00  }
0x131: {  	_ =	sfence.sel $0x180000  }
0x132: {  	[bflag:$0x0] =	sbarrier.arrive $0xFFFF  }
0x133: {  	_ =	strace $0x90000047  }
0x134: {  	s0 =	stileid.u32;
	[bflag:$0x2] =	sbarrier.arrive $0xFFFF  }
0x135: {  	p0 =	sne.s32 s0, $0x0;
	s0 =	rddreg [dreg:$0x6]  }
0x136: {  	s0 =	sadd.s32 @!p0 $0x100000, s0  }
0x137: {  	[sflag:s0] =	ssyncadd.tile.s32 @!p0 $0x1;
	_ =	shalt  }
.Lfunc_end2:
_tile_overlayer_lowered:
.L_overlay_start_2:
0x138: {  	(tag) =	ssettag $0x2  }
0x139: {  	s0 =	rddreg [dreg:$0x0];
	s2 =	stileid.u32  }
0x13a: {  	s1 =	rddreg [dreg:$0x1];
	p0 =	sne.s32 s2, $0x0  }
0x13b: {  	s3 =	rddreg [dreg:$0x2];
	[bflag:$0x3] =	sbarrier.arrive $0xFFFF;
	s2 =	simm.s32 @!p0 $0x1C05  }
0x13c: {  	[timem:s3], [sflag:s2] =	dma.local @!p0 [hbm:s0], s1  }
0x13d: {  	s0 =	simm.s32 @!p0 $0x5  }
0x13e: {  	_ =	swait.ge @!p0 [sflag:s0], s1  }
0x13f: {  	s1 =	ssub.s32 @!p0 $0x0, s1;
	[sflag:s0] =	ssyncset.done @!p0 $0x0  }
0x140: {  	[sflag:s0] =	ssyncadd.s32 @!p0 s1  }
0x141: {  	[bflag:$0x3] =	sbarrier.arrive $0xFFFF  }
0x142: {  	_ =	shalt  }

</sc_bundles>
